<compile_context>
chip_gen: v7x
topology: tpu7x:2x2x1
jax: 0.10.2.dev20260603
libtpu: 0.0.44.dev20260713+nightly
codegen_flags: <defaults>
</compile_context>

<pallas_src>
import jax
import jax.numpy as jnp
from jax import lax
from jax.experimental import pallas as pl
from jax.experimental.pallas import tpu as pltpu
from jax.experimental.pallas import tpu_sc as plsc

BATCH = 16384
HIST = 50
DIM = 64
PAD = 128
NC, NS = 2, 16
NW = NC * NS
B_PER_W = BATCH // NW
G = 4
STEPS = B_PER_W // G
IDX_PER_STEP = G * HIST
SPLITS = ((0, 128), (128, 72))


def kernel(x, table):
    idx = x.reshape(BATCH * HIST).astype(jnp.int32)
    widen = jnp.eye(DIM, PAD, dtype=jnp.float32)
    table128 = jax.lax.dot(
        table, widen, precision=jax.lax.Precision.HIGH
    )
    mesh = plsc.VectorSubcoreMesh(core_axis_name="c", subcore_axis_name="s")

    @jax.jit
    @pl.kernel(
        out_type=jax.ShapeDtypeStruct((BATCH, HIST, DIM), table.dtype),
        mesh=mesh,
        scratch_types=[
            pltpu.VMEM((IDX_PER_STEP,), jnp.int32),
            pltpu.VMEM((IDX_PER_STEP,), jnp.int32),
            pltpu.VMEM((IDX_PER_STEP, PAD), jnp.float32),
            pltpu.VMEM((IDX_PER_STEP, PAD), jnp.float32),
            pltpu.VMEM((IDX_PER_STEP, DIM), jnp.float32),
            pltpu.VMEM((IDX_PER_STEP, DIM), jnp.float32),
            pltpu.SemaphoreType.DMA,
            pltpu.SemaphoreType.DMA,
            pltpu.SemaphoreType.DMA,
            pltpu.SemaphoreType.DMA,
            pltpu.SemaphoreType.DMA,
            pltpu.SemaphoreType.DMA,
        ],
    )
    def gk(
        table_hbm, idx_hbm, out_hbm,
        idx0, idx1, rows0, rows1, outc0, outc1,
        sg0, sg1, sw0, sw1, si0, si1,
    ):
        wid = lax.axis_index("s") * NC + lax.axis_index("c")
        base_b = wid * B_PER_W

        def fire(s, idxr, rowsr, sem):
            off = (base_b + s * G) * HIST
            pltpu.sync_copy(idx_hbm.at[pl.ds(off, IDX_PER_STEP)], idxr)
            for a, n in SPLITS:
                pltpu.async_copy(
                    table_hbm.at[idxr.at[pl.ds(a, n)]],
                    rowsr.at[pl.ds(a, n)],
                    sem,
                )

        def wait_gather(idxr, rowsr, sem):
            for a, n in SPLITS:
                pltpu.make_async_copy(
                    table_hbm.at[idxr.at[pl.ds(a, n)]],
                    rowsr.at[pl.ds(a, n)],
                    sem,
                ).wait()

        def wait_wb(s, outcr, sem):
            b = base_b + s * G
            for j in range(G):
                pltpu.make_async_copy(
                    outcr.at[pl.ds(j * HIST, HIST)], out_hbm.at[b + j], sem
                ).wait()

        def idx_copy(s, idxr, si):
            off = (base_b + s * G) * HIST
            return pltpu.make_async_copy(
                idx_hbm.at[pl.ds(off, IDX_PER_STEP)], idxr, si
            )

        def body(s, idxr, rowsr, outcr, sg, sw, si):
            wait_gather(idxr, rowsr, sg)
            nxt = s + 2

            @pl.when(nxt < STEPS)
            def _():
                idx_copy(nxt, idxr, si).start()

            @pl.when(s >= 2)
            def _():
                wait_wb(s - 2, outcr, sw)

            @pl.loop(0, IDX_PER_STEP)
            def _(r):
                for c in range(DIM // 16):
                    slc = (pl.ds(r, 1), pl.ds(16 * c, 16))
                    outcr.at[*slc][...] = rowsr.at[*slc][...]

            @pl.when(nxt < STEPS)
            def _():
                idx_copy(nxt, idxr, si).wait()
                for a, n in SPLITS:
                    pltpu.async_copy(
                        table_hbm.at[idxr.at[pl.ds(a, n)]],
                        rowsr.at[pl.ds(a, n)],
                        sg,
                    )

            b = base_b + s * G
            for j in range(G):
                pltpu.async_copy(
                    outcr.at[pl.ds(j * HIST, HIST)], out_hbm.at[b + j], sw
                )

        fire(0, idx0, rows0, sg0)
        fire(1, idx1, rows1, sg1)

        @pl.loop(0, STEPS, step=2)
        def _(g):
            body(g, idx0, rows0, outc0, sg0, sw0, si0)
            body(g + 1, idx1, rows1, outc1, sg1, sw1, si1)

        wait_wb(STEPS - 2, outc0, sw0)
        wait_wb(STEPS - 1, outc1, sw1)

    out = gk(table128, idx)
    return out

# --- scband reference (transcript-rebuilt; emitter-appended) ---
"""Pipeline reference for scband-word-encoding-37615323579109 (READ-ONLY COPY).

The authoritative reference and input builder live on the scoring server;
editing this copy changes nothing except your own understanding.
"""

import jax, jax.numpy as jnp
import numpy as np

VOCAB = 1000000
EMBED_DIM = 64
BATCH = 16384
HIST_LEN = 50

def setup_inputs(seed: int = 0) -> dict:
    key = jax.random.key(seed)
    k1, k2 = jax.random.split(key)
    x = jax.random.randint(k1, (BATCH, HIST_LEN), 0, VOCAB, dtype=jnp.int64)
    # pretrained embedding table (embed_weights in __init__), trainable, padding_idx=0
    table = jax.random.normal(k2, (VOCAB, EMBED_DIM), dtype=jnp.float32)
    return {"x": x, "table": table}

def reference(x, table):
    # nn.Embedding forward: row gather from the embedding table
    return jnp.take(table, x, axis=0)

if __name__ == "__main__":
    import jax
    _d = setup_inputs()
    print(jax.jit(kernel)(*tuple(_d.values())))

</pallas_src>

<mosaic_0001>
#map = affine_map<(d0, d1) -> (0, 0)>
#map1 = affine_map<(d0, d1) -> (0)>
#map2 = affine_map<(d0, d1) -> (0, 0, 0)>
module attributes {stable_mosaic.version = 14 : i64} {
  func.func @gk(%arg0: i32, %arg1: i32, %arg2: memref<1000000x128xf32, #tpu.memory_space<hbm>>, %arg3: memref<819200xi32, #tpu.memory_space<hbm>>, %arg4: memref<16384x50x64xf32, #tpu.memory_space<hbm>>, %arg5: memref<200xi32, #tpu.memory_space<vmem>>, %arg6: memref<200xi32, #tpu.memory_space<vmem>>, %arg7: memref<200x128xf32, #tpu.memory_space<vmem>>, %arg8: memref<200x128xf32, #tpu.memory_space<vmem>>, %arg9: memref<200x64xf32, #tpu.memory_space<vmem>>, %arg10: memref<200x64xf32, #tpu.memory_space<vmem>>, %arg11: memref<!tpu.dma_semaphore, #tpu.memory_space<semaphore_mem>>, %arg12: memref<!tpu.dma_semaphore, #tpu.memory_space<semaphore_mem>>, %arg13: memref<!tpu.dma_semaphore, #tpu.memory_space<semaphore_mem>>, %arg14: memref<!tpu.dma_semaphore, #tpu.memory_space<semaphore_mem>>, %arg15: memref<!tpu.dma_semaphore, #tpu.memory_space<semaphore_mem>>, %arg16: memref<!tpu.dma_semaphore, #tpu.memory_space<semaphore_mem>>) attributes {dimension_semantics = [#tpu.dimension_semantics<core_parallel>, #tpu.dimension_semantics<subcore_parallel>], iteration_bounds = array<i64: 2, 16>, scalar_prefetch = 0 : i64, scratch_operands = 12 : i64, tpu.core_type = #tpu.core_type<sc_vector_subcore>, window_params = [{transform_indices = #map}, {transform_indices = #map1}, {transform_indices = #map2}]} {
    %mul3A = arith.constant 2 : i32
    %mul3A_0 = arith.muli %arg1, %mul3A : i32
    %add3A = arith.addi %mul3A_0, %arg0 : i32
    %mul3A_1 = arith.constant 512 : i32
    %mul3A_2 = arith.muli %add3A, %mul3A_1 : i32
    %add3A_3 = arith.constant 0 : i32
    %add3A_4 = arith.addi %mul3A_2, %add3A_3 : i32
    %mul3A_5 = arith.constant 50 : i32
    %mul3A_6 = arith.muli %add3A_4, %mul3A_5 : i32
    "tpu.region"() ({
      %run_scoped3A = tpu.sem_alloc : memref<!tpu.dma_semaphore, #tpu.memory_space<semaphore_mem>>
      %dma_start3A_177 = tpu.memref_slice %arg3[%mul3A_6] : memref<819200xi32, #tpu.memory_space<hbm>> -> memref<200xi32, #tpu.memory_space<hbm>>
      %dma_start3A_178 = tpu.memref_slice %arg3[%mul3A_6] : memref<819200xi32, #tpu.memory_space<hbm>> -> memref<200xi32, #tpu.memory_space<hbm>>
      tpu.enqueue_dma source(%dma_start3A_178 : memref<200xi32, #tpu.memory_space<hbm>>) target(%arg5 : memref<200xi32, #tpu.memory_space<vmem>>) target_semaphore(%run_scoped3A : memref<!tpu.dma_semaphore, #tpu.memory_space<semaphore_mem>>)
      %dma_wait3A_179 = tpu.memref_slice %arg3[%mul3A_6] : memref<819200xi32, #tpu.memory_space<hbm>> -> memref<200xi32, #tpu.memory_space<hbm>>
      %dma_wait3A_180 = tpu.memref_slice %arg3[%mul3A_6] : memref<819200xi32, #tpu.memory_space<hbm>> -> memref<200xi32, #tpu.memory_space<hbm>>
      tpu.wait_dma2 semaphore(%run_scoped3A : memref<!tpu.dma_semaphore, #tpu.memory_space<semaphore_mem>>) src(%dma_wait3A_180 : memref<200xi32, #tpu.memory_space<hbm>>) dst(%arg5 : memref<200xi32, #tpu.memory_space<vmem>>)
      tpu.yield
    }) : () -> ()
    %dma_start3A = arith.constant 0 : i32
    %dma_start3A_7 = arith.constant 0 : i32
    %dma_start3A_8 = tpu.memref_slice %arg7[%dma_start3A, %dma_start3A_7] : memref<200x128xf32, #tpu.memory_space<vmem>> -> memref<128x128xf32, #tpu.memory_space<vmem>>
    %dma_start3A_9 = arith.constant 0 : i32
    %dma_start3A_10 = tpu.memref_slice %arg5[%dma_start3A_9] : memref<200xi32, #tpu.memory_space<vmem>> -> memref<128xi32, #tpu.memory_space<vmem>>
    %dma_start3A_11 = arith.constant 0 : i32
    %dma_start3A_12 = arith.constant 0 : i32
    %dma_start3A_13 = tpu.memref_slice %arg2[%dma_start3A_11, %dma_start3A_12] : memref<1000000x128xf32, #tpu.memory_space<hbm>> -> memref<1000000x128xf32, #tpu.memory_space<hbm>>
    tpu.enqueue_indirect_dma source(%dma_start3A_13 : memref<1000000x128xf32, #tpu.memory_space<hbm>>) target(%dma_start3A_8 : memref<128x128xf32, #tpu.memory_space<vmem>>) offsets(%dma_start3A_10 : memref<128xi32, #tpu.memory_space<vmem>>) semaphore(%arg11 : memref<!tpu.dma_semaphore, #tpu.memory_space<semaphore_mem>>)
    %dma_start3A_14 = arith.constant 128 : i32
    %dma_start3A_15 = arith.constant 0 : i32
    %dma_start3A_16 = tpu.memref_slice %arg7[%dma_start3A_14, %dma_start3A_15] : memref<200x128xf32, #tpu.memory_space<vmem>> -> memref<72x128xf32, #tpu.memory_space<vmem>>
    %dma_start3A_17 = arith.constant 128 : i32
    %dma_start3A_18 = tpu.memref_slice %arg5[%dma_start3A_17] : memref<200xi32, #tpu.memory_space<vmem>> -> memref<72xi32, #tpu.memory_space<vmem>>
    %dma_start3A_19 = arith.constant 0 : i32
    %dma_start3A_20 = arith.constant 0 : i32
    %dma_start3A_21 = tpu.memref_slice %arg2[%dma_start3A_19, %dma_start3A_20] : memref<1000000x128xf32, #tpu.memory_space<hbm>> -> memref<1000000x128xf32, #tpu.memory_space<hbm>>
    tpu.enqueue_indirect_dma source(%dma_start3A_21 : memref<1000000x128xf32, #tpu.memory_space<hbm>>) target(%dma_start3A_16 : memref<72x128xf32, #tpu.memory_space<vmem>>) offsets(%dma_start3A_18 : memref<72xi32, #tpu.memory_space<vmem>>) semaphore(%arg11 : memref<!tpu.dma_semaphore, #tpu.memory_space<semaphore_mem>>)
    %add3A_22 = arith.constant 4 : i32
    %add3A_23 = arith.addi %mul3A_2, %add3A_22 : i32
    %mul3A_24 = arith.constant 50 : i32
    %mul3A_25 = arith.muli %add3A_23, %mul3A_24 : i32
    "tpu.region"() ({
      %run_scoped3A = tpu.sem_alloc : memref<!tpu.dma_semaphore, #tpu.memory_space<semaphore_mem>>
      %dma_start3A_177 = tpu.memref_slice %arg3[%mul3A_25] : memref<819200xi32, #tpu.memory_space<hbm>> -> memref<200xi32, #tpu.memory_space<hbm>>
      %dma_start3A_178 = tpu.memref_slice %arg3[%mul3A_25] : memref<819200xi32, #tpu.memory_space<hbm>> -> memref<200xi32, #tpu.memory_space<hbm>>
      tpu.enqueue_dma source(%dma_start3A_178 : memref<200xi32, #tpu.memory_space<hbm>>) target(%arg6 : memref<200xi32, #tpu.memory_space<vmem>>) target_semaphore(%run_scoped3A : memref<!tpu.dma_semaphore, #tpu.memory_space<semaphore_mem>>)
      %dma_wait3A_179 = tpu.memref_slice %arg3[%mul3A_25] : memref<819200xi32, #tpu.memory_space<hbm>> -> memref<200xi32, #tpu.memory_space<hbm>>
      %dma_wait3A_180 = tpu.memref_slice %arg3[%mul3A_25] : memref<819200xi32, #tpu.memory_space<hbm>> -> memref<200xi32, #tpu.memory_space<hbm>>
      tpu.wait_dma2 semaphore(%run_scoped3A : memref<!tpu.dma_semaphore, #tpu.memory_space<semaphore_mem>>) src(%dma_wait3A_180 : memref<200xi32, #tpu.memory_space<hbm>>) dst(%arg6 : memref<200xi32, #tpu.memory_space<vmem>>)
      tpu.yield
    }) : () -> ()
    %dma_start3A_26 = arith.constant 0 : i32
    %dma_start3A_27 = arith.constant 0 : i32
    %dma_start3A_28 = tpu.memref_slice %arg8[%dma_start3A_26, %dma_start3A_27] : memref<200x128xf32, #tpu.memory_space<vmem>> -> memref<128x128xf32, #tpu.memory_space<vmem>>
    %dma_start3A_29 = arith.constant 0 : i32
    %dma_start3A_30 = tpu.memref_slice %arg6[%dma_start3A_29] : memref<200xi32, #tpu.memory_space<vmem>> -> memref<128xi32, #tpu.memory_space<vmem>>
    %dma_start3A_31 = arith.constant 0 : i32
    %dma_start3A_32 = arith.constant 0 : i32
    %dma_start3A_33 = tpu.memref_slice %arg2[%dma_start3A_31, %dma_start3A_32] : memref<1000000x128xf32, #tpu.memory_space<hbm>> -> memref<1000000x128xf32, #tpu.memory_space<hbm>>
    tpu.enqueue_indirect_dma source(%dma_start3A_33 : memref<1000000x128xf32, #tpu.memory_space<hbm>>) target(%dma_start3A_28 : memref<128x128xf32, #tpu.memory_space<vmem>>) offsets(%dma_start3A_30 : memref<128xi32, #tpu.memory_space<vmem>>) semaphore(%arg12 : memref<!tpu.dma_semaphore, #tpu.memory_space<semaphore_mem>>)
    %dma_start3A_34 = arith.constant 128 : i32
    %dma_start3A_35 = arith.constant 0 : i32
    %dma_start3A_36 = tpu.memref_slice %arg8[%dma_start3A_34, %dma_start3A_35] : memref<200x128xf32, #tpu.memory_space<vmem>> -> memref<72x128xf32, #tpu.memory_space<vmem>>
    %dma_start3A_37 = arith.constant 128 : i32
    %dma_start3A_38 = tpu.memref_slice %arg6[%dma_start3A_37] : memref<200xi32, #tpu.memory_space<vmem>> -> memref<72xi32, #tpu.memory_space<vmem>>
    %dma_start3A_39 = arith.constant 0 : i32
    %dma_start3A_40 = arith.constant 0 : i32
    %dma_start3A_41 = tpu.memref_slice %arg2[%dma_start3A_39, %dma_start3A_40] : memref<1000000x128xf32, #tpu.memory_space<hbm>> -> memref<1000000x128xf32, #tpu.memory_space<hbm>>
    tpu.enqueue_indirect_dma source(%dma_start3A_41 : memref<1000000x128xf32, #tpu.memory_space<hbm>>) target(%dma_start3A_36 : memref<72x128xf32, #tpu.memory_space<vmem>>) offsets(%dma_start3A_38 : memref<72xi32, #tpu.memory_space<vmem>>) semaphore(%arg12 : memref<!tpu.dma_semaphore, #tpu.memory_space<semaphore_mem>>)
    %scan3A = arith.constant 0 : i32
    %scan3A_42 = arith.constant 64 : i32
    %scan3A_43 = arith.addi %scan3A, %scan3A_42 : i32
    %scan3A_44 = arith.constant 1 : i32
    scf.for %scan3A_177 = %scan3A to %scan3A_43 step %scan3A_44  : i32 {
      %mul3A_178 = arith.constant 2 : i32
      %mul3A_179 = arith.muli %scan3A_177, %mul3A_178 : i32
      %add3A_180 = arith.constant 0 : i32
      %add3A_181 = arith.addi %add3A_180, %mul3A_179 : i32
      %dma_wait3A_182 = arith.constant 0 : i32
      %dma_wait3A_183 = arith.constant 0 : i32
      %dma_wait3A_184 = tpu.memref_slice %arg7[%dma_wait3A_182, %dma_wait3A_183] : memref<200x128xf32, #tpu.memory_space<vmem>> -> memref<128x128xf32, #tpu.memory_space<vmem>>
      %dma_wait3A_185 = arith.constant 0 : i32
      %dma_wait3A_186 = tpu.memref_slice %arg5[%dma_wait3A_185] : memref<200xi32, #tpu.memory_space<vmem>> -> memref<128xi32, #tpu.memory_space<vmem>>
      %dma_wait3A_187 = arith.constant 0 : i32
      %dma_wait3A_188 = arith.constant 0 : i32
      %dma_wait3A_189 = tpu.memref_slice %arg2[%dma_wait3A_187, %dma_wait3A_188] : memref<1000000x128xf32, #tpu.memory_space<hbm>> -> memref<1000000x128xf32, #tpu.memory_space<hbm>>
      tpu.wait_indirect_dma semaphore(%arg11 : memref<!tpu.dma_semaphore, #tpu.memory_space<semaphore_mem>>) src(%dma_wait3A_189 : memref<1000000x128xf32, #tpu.memory_space<hbm>>) dst(%dma_wait3A_184 : memref<128x128xf32, #tpu.memory_space<vmem>>)
      %dma_wait3A_190 = arith.constant 128 : i32
      %dma_wait3A_191 = arith.constant 0 : i32
      %dma_wait3A_192 = tpu.memref_slice %arg7[%dma_wait3A_190, %dma_wait3A_191] : memref<200x128xf32, #tpu.memory_space<vmem>> -> memref<72x128xf32, #tpu.memory_space<vmem>>
      %dma_wait3A_193 = arith.constant 128 : i32
      %dma_wait3A_194 = tpu.memref_slice %arg5[%dma_wait3A_193] : memref<200xi32, #tpu.memory_space<vmem>> -> memref<72xi32, #tpu.memory_space<vmem>>
      %dma_wait3A_195 = arith.constant 0 : i32
      %dma_wait3A_196 = arith.constant 0 : i32
      %dma_wait3A_197 = tpu.memref_slice %arg2[%dma_wait3A_195, %dma_wait3A_196] : memref<1000000x128xf32, #tpu.memory_space<hbm>> -> memref<1000000x128xf32, #tpu.memory_space<hbm>>
      tpu.wait_indirect_dma semaphore(%arg11 : memref<!tpu.dma_semaphore, #tpu.memory_space<semaphore_mem>>) src(%dma_wait3A_197 : memref<1000000x128xf32, #tpu.memory_space<hbm>>) dst(%dma_wait3A_192 : memref<72x128xf32, #tpu.memory_space<vmem>>)
      %add3A_198 = arith.constant 2 : i32
      %add3A_199 = arith.addi %add3A_181, %add3A_198 : i32
      %lt3A = arith.constant 128 : i32
      %lt3A_200 = arith.cmpi slt, %add3A_199, %lt3A : i32
      %convert_element_type3A = arith.extui %lt3A_200 : i1 to i32
      %cond3A = arith.constant 0 : i32
      %cond3A_201 = arith.cmpi ne, %convert_element_type3A, %cond3A : i32
      scf.if %cond3A_201 {
        %mul3A_390 = arith.constant 4 : i32
        %mul3A_391 = arith.muli %add3A_199, %mul3A_390 : i32
        %add3A_392 = arith.addi %mul3A_2, %mul3A_391 : i32
        %mul3A_393 = arith.constant 50 : i32
        %mul3A_394 = arith.muli %add3A_392, %mul3A_393 : i32
        %dma_start3A_395 = tpu.memref_slice %arg3[%mul3A_394] : memref<819200xi32, #tpu.memory_space<hbm>> -> memref<200xi32, #tpu.memory_space<hbm>>
        %dma_start3A_396 = tpu.memref_slice %arg3[%mul3A_394] : memref<819200xi32, #tpu.memory_space<hbm>> -> memref<200xi32, #tpu.memory_space<hbm>>
        tpu.enqueue_dma source(%dma_start3A_396 : memref<200xi32, #tpu.memory_space<hbm>>) target(%arg5 : memref<200xi32, #tpu.memory_space<vmem>>) target_semaphore(%arg15 : memref<!tpu.dma_semaphore, #tpu.memory_space<semaphore_mem>>)
      } else {
      }
      %ge3A = arith.constant 2 : i32
      %ge3A_202 = arith.cmpi sge, %add3A_181, %ge3A : i32
      %convert_element_type3A_203 = arith.extui %ge3A_202 : i1 to i32
      %cond3A_204 = arith.constant 0 : i32
      %cond3A_205 = arith.cmpi ne, %convert_element_type3A_203, %cond3A_204 : i32
      scf.if %cond3A_205 {
        %sub3A = arith.constant 2 : i32
        %sub3A_390 = arith.subi %add3A_181, %sub3A : i32
        %mul3A_391 = arith.constant 4 : i32
        %mul3A_392 = arith.muli %sub3A_390, %mul3A_391 : i32
        %add3A_393 = arith.addi %mul3A_2, %mul3A_392 : i32
        %add3A_394 = arith.constant 0 : i32
        %add3A_395 = arith.addi %add3A_393, %add3A_394 : i32
        %dma_wait3A_396 = arith.constant 0 : i32
        %dma_wait3A_397 = arith.constant 0 : i32
        %dma_wait3A_398 = tpu.memref_slice %arg9[%dma_wait3A_396, %dma_wait3A_397] : memref<200x64xf32, #tpu.memory_space<vmem>> -> memref<50x64xf32, #tpu.memory_space<vmem>>
        %dma_wait3A_399 = arith.constant 0 : i32
        %dma_wait3A_400 = arith.constant 0 : i32
        %dma_wait3A_401 = tpu.memref_slice %arg4[%add3A_395, %dma_wait3A_399, %dma_wait3A_400] : memref<16384x50x64xf32, #tpu.memory_space<hbm>> -> memref<1x50x64xf32, #tpu.memory_space<hbm>>
        %dma_wait3A_402 = tpu.memref_squeeze %dma_wait3A_401 : memref<1x50x64xf32, #tpu.memory_space<hbm>> -> memref<50x64xf32, #tpu.memory_space<hbm>>
        %dma_wait3A_403 = arith.constant 0 : i32
        %dma_wait3A_404 = arith.constant 0 : i32
        %dma_wait3A_405 = tpu.memref_slice %arg4[%add3A_395, %dma_wait3A_403, %dma_wait3A_404] : memref<16384x50x64xf32, #tpu.memory_space<hbm>> -> memref<1x50x64xf32, #tpu.memory_space<hbm>>
        %dma_wait3A_406 = tpu.memref_squeeze %dma_wait3A_405 : memref<1x50x64xf32, #tpu.memory_space<hbm>> -> memref<50x64xf32, #tpu.memory_space<hbm>>
        %dma_wait3A_407 = arith.constant 0 : i32
        %dma_wait3A_408 = arith.constant 0 : i32
        %dma_wait3A_409 = tpu.memref_slice %arg9[%dma_wait3A_407, %dma_wait3A_408] : memref<200x64xf32, #tpu.memory_space<vmem>> -> memref<50x64xf32, #tpu.memory_space<vmem>>
        tpu.wait_dma2 semaphore(%arg13 : memref<!tpu.dma_semaphore, #tpu.memory_space<semaphore_mem>>) src(%dma_wait3A_409 : memref<50x64xf32, #tpu.memory_space<vmem>>) dst(%dma_wait3A_406 : memref<50x64xf32, #tpu.memory_space<hbm>>)
        %add3A_410 = arith.constant 1 : i32
        %add3A_411 = arith.addi %add3A_393, %add3A_410 : i32
        %dma_wait3A_412 = arith.constant 50 : i32
        %dma_wait3A_413 = arith.constant 0 : i32
        %dma_wait3A_414 = tpu.memref_slice %arg9[%dma_wait3A_412, %dma_wait3A_413] : memref<200x64xf32, #tpu.memory_space<vmem>> -> memref<50x64xf32, #tpu.memory_space<vmem>>
        %dma_wait3A_415 = arith.constant 0 : i32
        %dma_wait3A_416 = arith.constant 0 : i32
        %dma_wait3A_417 = tpu.memref_slice %arg4[%add3A_411, %dma_wait3A_415, %dma_wait3A_416] : memref<16384x50x64xf32, #tpu.memory_space<hbm>> -> memref<1x50x64xf32, #tpu.memory_space<hbm>>
        %dma_wait3A_418 = tpu.memref_squeeze %dma_wait3A_417 : memref<1x50x64xf32, #tpu.memory_space<hbm>> -> memref<50x64xf32, #tpu.memory_space<hbm>>
        %dma_wait3A_419 = arith.constant 0 : i32
        %dma_wait3A_420 = arith.constant 0 : i32
        %dma_wait3A_421 = tpu.memref_slice %arg4[%add3A_411, %dma_wait3A_419, %dma_wait3A_420] : memref<16384x50x64xf32, #tpu.memory_space<hbm>> -> memref<1x50x64xf32, #tpu.memory_space<hbm>>
        %dma_wait3A_422 = tpu.memref_squeeze %dma_wait3A_421 : memref<1x50x64xf32, #tpu.memory_space<hbm>> -> memref<50x64xf32, #tpu.memory_space<hbm>>
        %dma_wait3A_423 = arith.constant 50 : i32
        %dma_wait3A_424 = arith.constant 0 : i32
        %dma_wait3A_425 = tpu.memref_slice %arg9[%dma_wait3A_423, %dma_wait3A_424] : memref<200x64xf32, #tpu.memory_space<vmem>> -> memref<50x64xf32, #tpu.memory_space<vmem>>
        tpu.wait_dma2 semaphore(%arg13 : memref<!tpu.dma_semaphore, #tpu.memory_space<semaphore_mem>>) src(%dma_wait3A_425 : memref<50x64xf32, #tpu.memory_space<vmem>>) dst(%dma_wait3A_422 : memref<50x64xf32, #tpu.memory_space<hbm>>)
        %add3A_426 = arith.constant 2 : i32
        %add3A_427 = arith.addi %add3A_393, %add3A_426 : i32
        %dma_wait3A_428 = arith.constant 100 : i32
        %dma_wait3A_429 = arith.constant 0 : i32
        %dma_wait3A_430 = tpu.memref_slice %arg9[%dma_wait3A_428, %dma_wait3A_429] : memref<200x64xf32, #tpu.memory_space<vmem>> -> memref<50x64xf32, #tpu.memory_space<vmem>>
        %dma_wait3A_431 = arith.constant 0 : i32
        %dma_wait3A_432 = arith.constant 0 : i32
        %dma_wait3A_433 = tpu.memref_slice %arg4[%add3A_427, %dma_wait3A_431, %dma_wait3A_432] : memref<16384x50x64xf32, #tpu.memory_space<hbm>> -> memref<1x50x64xf32, #tpu.memory_space<hbm>>
        %dma_wait3A_434 = tpu.memref_squeeze %dma_wait3A_433 : memref<1x50x64xf32, #tpu.memory_space<hbm>> -> memref<50x64xf32, #tpu.memory_space<hbm>>
        %dma_wait3A_435 = arith.constant 0 : i32
        %dma_wait3A_436 = arith.constant 0 : i32
        %dma_wait3A_437 = tpu.memref_slice %arg4[%add3A_427, %dma_wait3A_435, %dma_wait3A_436] : memref<16384x50x64xf32, #tpu.memory_space<hbm>> -> memref<1x50x64xf32, #tpu.memory_space<hbm>>
        %dma_wait3A_438 = tpu.memref_squeeze %dma_wait3A_437 : memref<1x50x64xf32, #tpu.memory_space<hbm>> -> memref<50x64xf32, #tpu.memory_space<hbm>>
        %dma_wait3A_439 = arith.constant 100 : i32
        %dma_wait3A_440 = arith.constant 0 : i32
        %dma_wait3A_441 = tpu.memref_slice %arg9[%dma_wait3A_439, %dma_wait3A_440] : memref<200x64xf32, #tpu.memory_space<vmem>> -> memref<50x64xf32, #tpu.memory_space<vmem>>
        tpu.wait_dma2 semaphore(%arg13 : memref<!tpu.dma_semaphore, #tpu.memory_space<semaphore_mem>>) src(%dma_wait3A_441 : memref<50x64xf32, #tpu.memory_space<vmem>>) dst(%dma_wait3A_438 : memref<50x64xf32, #tpu.memory_space<hbm>>)
        %add3A_442 = arith.constant 3 : i32
        %add3A_443 = arith.addi %add3A_393, %add3A_442 : i32
        %dma_wait3A_444 = arith.constant 150 : i32
        %dma_wait3A_445 = arith.constant 0 : i32
        %dma_wait3A_446 = tpu.memref_slice %arg9[%dma_wait3A_444, %dma_wait3A_445] : memref<200x64xf32, #tpu.memory_space<vmem>> -> memref<50x64xf32, #tpu.memory_space<vmem>>
        %dma_wait3A_447 = arith.constant 0 : i32
        %dma_wait3A_448 = arith.constant 0 : i32
        %dma_wait3A_449 = tpu.memref_slice %arg4[%add3A_443, %dma_wait3A_447, %dma_wait3A_448] : memref<16384x50x64xf32, #tpu.memory_space<hbm>> -> memref<1x50x64xf32, #tpu.memory_space<hbm>>
        %dma_wait3A_450 = tpu.memref_squeeze %dma_wait3A_449 : memref<1x50x64xf32, #tpu.memory_space<hbm>> -> memref<50x64xf32, #tpu.memory_space<hbm>>
        %dma_wait3A_451 = arith.constant 0 : i32
        %dma_wait3A_452 = arith.constant 0 : i32
        %dma_wait3A_453 = tpu.memref_slice %arg4[%add3A_443, %dma_wait3A_451, %dma_wait3A_452] : memref<16384x50x64xf32, #tpu.memory_space<hbm>> -> memref<1x50x64xf32, #tpu.memory_space<hbm>>
        %dma_wait3A_454 = tpu.memref_squeeze %dma_wait3A_453 : memref<1x50x64xf32, #tpu.memory_space<hbm>> -> memref<50x64xf32, #tpu.memory_space<hbm>>
        %dma_wait3A_455 = arith.constant 150 : i32
        %dma_wait3A_456 = arith.constant 0 : i32
        %dma_wait3A_457 = tpu.memref_slice %arg9[%dma_wait3A_455, %dma_wait3A_456] : memref<200x64xf32, #tpu.memory_space<vmem>> -> memref<50x64xf32, #tpu.memory_space<vmem>>
        tpu.wait_dma2 semaphore(%arg13 : memref<!tpu.dma_semaphore, #tpu.memory_space<semaphore_mem>>) src(%dma_wait3A_457 : memref<50x64xf32, #tpu.memory_space<vmem>>) dst(%dma_wait3A_454 : memref<50x64xf32, #tpu.memory_space<hbm>>)
      } else {
      }
      %scan3A_206 = arith.constant 0 : i32
      %scan3A_207 = arith.constant 200 : i32
      %scan3A_208 = arith.addi %scan3A_206, %scan3A_207 : i32
      %scan3A_209 = arith.constant 1 : i32
      scf.for %scan3A_390 = %scan3A_206 to %scan3A_208 step %scan3A_209  : i32 {
        %mul3A_391 = arith.constant 1 : i32
        %mul3A_392 = arith.muli %scan3A_390, %mul3A_391 : i32
        %add3A_393 = arith.constant 0 : i32
        %add3A_394 = arith.addi %add3A_393, %mul3A_392 : i32
        %get3A = arith.index_cast %add3A_394 : i32 to index
        %get3A_395 = arith.constant 0 : index
        %get3A_396 = tpu.vector_load %arg7[%get3A, %get3A_395] {strides = array<i32>} : memref<200x128xf32, #tpu.memory_space<vmem>>, vector<1x16xf32>,
        %get3A_397 = vector.shape_cast %get3A_396 : vector<1x16xf32> to vector<1x16xf32>
        %swap3A = arith.index_cast %add3A_394 : i32 to index
        %swap3A_398 = arith.constant 0 : index
        %swap3A_399 = tpu.vector_load %arg9[%swap3A, %swap3A_398] {strides = array<i32>} : memref<200x64xf32, #tpu.memory_space<vmem>>, vector<1x16xf32>,
        %swap3A_400 = vector.shape_cast %swap3A_399 : vector<1x16xf32> to vector<1x16xf32>
        %swap3A_401 = vector.shape_cast %get3A_397 : vector<1x16xf32> to vector<1x16xf32>
        tpu.vector_store %arg9[%swap3A, %swap3A_398], %swap3A_401 {strides = array<i32>} : memref<200x64xf32, #tpu.memory_space<vmem>>, vector<1x16xf32>,
        %get3A_402 = arith.index_cast %add3A_394 : i32 to index
        %get3A_403 = arith.constant 16 : index
        %get3A_404 = tpu.vector_load %arg7[%get3A_402, %get3A_403] {strides = array<i32>} : memref<200x128xf32, #tpu.memory_space<vmem>>, vector<1x16xf32>,
        %get3A_405 = vector.shape_cast %get3A_404 : vector<1x16xf32> to vector<1x16xf32>
        %swap3A_406 = arith.index_cast %add3A_394 : i32 to index
        %swap3A_407 = arith.constant 16 : index
        %swap3A_408 = tpu.vector_load %arg9[%swap3A_406, %swap3A_407] {strides = array<i32>} : memref<200x64xf32, #tpu.memory_space<vmem>>, vector<1x16xf32>,
        %swap3A_409 = vector.shape_cast %swap3A_408 : vector<1x16xf32> to vector<1x16xf32>
        %swap3A_410 = vector.shape_cast %get3A_405 : vector<1x16xf32> to vector<1x16xf32>
        tpu.vector_store %arg9[%swap3A_406, %swap3A_407], %swap3A_410 {strides = array<i32>} : memref<200x64xf32, #tpu.memory_space<vmem>>, vector<1x16xf32>,
        %get3A_411 = arith.index_cast %add3A_394 : i32 to index
        %get3A_412 = arith.constant 32 : index
        %get3A_413 = tpu.vector_load %arg7[%get3A_411, %get3A_412] {strides = array<i32>} : memref<200x128xf32, #tpu.memory_space<vmem>>, vector<1x16xf32>,
        %get3A_414 = vector.shape_cast %get3A_413 : vector<1x16xf32> to vector<1x16xf32>
        %swap3A_415 = arith.index_cast %add3A_394 : i32 to index
        %swap3A_416 = arith.constant 32 : index
        %swap3A_417 = tpu.vector_load %arg9[%swap3A_415, %swap3A_416] {strides = array<i32>} : memref<200x64xf32, #tpu.memory_space<vmem>>, vector<1x16xf32>,
        %swap3A_418 = vector.shape_cast %swap3A_417 : vector<1x16xf32> to vector<1x16xf32>
        %swap3A_419 = vector.shape_cast %get3A_414 : vector<1x16xf32> to vector<1x16xf32>
        tpu.vector_store %arg9[%swap3A_415, %swap3A_416], %swap3A_419 {strides = array<i32>} : memref<200x64xf32, #tpu.memory_space<vmem>>, vector<1x16xf32>,
        %get3A_420 = arith.index_cast %add3A_394 : i32 to index
        %get3A_421 = arith.constant 48 : index
        %get3A_422 = tpu.vector_load %arg7[%get3A_420, %get3A_421] {strides = array<i32>} : memref<200x128xf32, #tpu.memory_space<vmem>>, vector<1x16xf32>,
        %get3A_423 = vector.shape_cast %get3A_422 : vector<1x16xf32> to vector<1x16xf32>
        %swap3A_424 = arith.index_cast %add3A_394 : i32 to index
        %swap3A_425 = arith.constant 48 : index
        %swap3A_426 = tpu.vector_load %arg9[%swap3A_424, %swap3A_425] {strides = array<i32>} : memref<200x64xf32, #tpu.memory_space<vmem>>, vector<1x16xf32>,
        %swap3A_427 = vector.shape_cast %swap3A_426 : vector<1x16xf32> to vector<1x16xf32>
        %swap3A_428 = vector.shape_cast %get3A_423 : vector<1x16xf32> to vector<1x16xf32>
        tpu.vector_store %arg9[%swap3A_424, %swap3A_425], %swap3A_428 {strides = array<i32>} : memref<200x64xf32, #tpu.memory_space<vmem>>, vector<1x16xf32>,
      }
      %scan3A_210 = arith.constant 200 : i32
      %lt3A_211 = arith.constant 128 : i32
      %lt3A_212 = arith.cmpi slt, %add3A_199, %lt3A_211 : i32
      %convert_element_type3A_213 = arith.extui %lt3A_212 : i1 to i32
      %cond3A_214 = arith.constant 0 : i32
      %cond3A_215 = arith.cmpi ne, %convert_element_type3A_213, %cond3A_214 : i32
      scf.if %cond3A_215 {
        %mul3A_390 = arith.constant 4 : i32
        %mul3A_391 = arith.muli %add3A_199, %mul3A_390 : i32
        %add3A_392 = arith.addi %mul3A_2, %mul3A_391 : i32
        %mul3A_393 = arith.constant 50 : i32
        %mul3A_394 = arith.muli %add3A_392, %mul3A_393 : i32
        %dma_wait3A_395 = tpu.memref_slice %arg3[%mul3A_394] : memref<819200xi32, #tpu.memory_space<hbm>> -> memref<200xi32, #tpu.memory_space<hbm>>
        %dma_wait3A_396 = tpu.memref_slice %arg3[%mul3A_394] : memref<819200xi32, #tpu.memory_space<hbm>> -> memref<200xi32, #tpu.memory_space<hbm>>
        tpu.wait_dma2 semaphore(%arg15 : memref<!tpu.dma_semaphore, #tpu.memory_space<semaphore_mem>>) src(%dma_wait3A_396 : memref<200xi32, #tpu.memory_space<hbm>>) dst(%arg5 : memref<200xi32, #tpu.memory_space<vmem>>)
        %dma_start3A_397 = arith.constant 0 : i32
        %dma_start3A_398 = arith.constant 0 : i32
        %dma_start3A_399 = tpu.memref_slice %arg7[%dma_start3A_397, %dma_start3A_398] : memref<200x128xf32, #tpu.memory_space<vmem>> -> memref<128x128xf32, #tpu.memory_space<vmem>>
        %dma_start3A_400 = arith.constant 0 : i32
        %dma_start3A_401 = tpu.memref_slice %arg5[%dma_start3A_400] : memref<200xi32, #tpu.memory_space<vmem>> -> memref<128xi32, #tpu.memory_space<vmem>>
        %dma_start3A_402 = arith.constant 0 : i32
        %dma_start3A_403 = arith.constant 0 : i32
        %dma_start3A_404 = tpu.memref_slice %arg2[%dma_start3A_402, %dma_start3A_403] : memref<1000000x128xf32, #tpu.memory_space<hbm>> -> memref<1000000x128xf32, #tpu.memory_space<hbm>>
        tpu.enqueue_indirect_dma source(%dma_start3A_404 : memref<1000000x128xf32, #tpu.memory_space<hbm>>) target(%dma_start3A_399 : memref<128x128xf32, #tpu.memory_space<vmem>>) offsets(%dma_start3A_401 : memref<128xi32, #tpu.memory_space<vmem>>) semaphore(%arg11 : memref<!tpu.dma_semaphore, #tpu.memory_space<semaphore_mem>>)
        %dma_start3A_405 = arith.constant 128 : i32
        %dma_start3A_406 = arith.constant 0 : i32
        %dma_start3A_407 = tpu.memref_slice %arg7[%dma_start3A_405, %dma_start3A_406] : memref<200x128xf32, #tpu.memory_space<vmem>> -> memref<72x128xf32, #tpu.memory_space<vmem>>
        %dma_start3A_408 = arith.constant 128 : i32
        %dma_start3A_409 = tpu.memref_slice %arg5[%dma_start3A_408] : memref<200xi32, #tpu.memory_space<vmem>> -> memref<72xi32, #tpu.memory_space<vmem>>
        %dma_start3A_410 = arith.constant 0 : i32
        %dma_start3A_411 = arith.constant 0 : i32
        %dma_start3A_412 = tpu.memref_slice %arg2[%dma_start3A_410, %dma_start3A_411] : memref<1000000x128xf32, #tpu.memory_space<hbm>> -> memref<1000000x128xf32, #tpu.memory_space<hbm>>
        tpu.enqueue_indirect_dma source(%dma_start3A_412 : memref<1000000x128xf32, #tpu.memory_space<hbm>>) target(%dma_start3A_407 : memref<72x128xf32, #tpu.memory_space<vmem>>) offsets(%dma_start3A_409 : memref<72xi32, #tpu.memory_space<vmem>>) semaphore(%arg11 : memref<!tpu.dma_semaphore, #tpu.memory_space<semaphore_mem>>)
      } else {
      }
      %mul3A_216 = arith.constant 4 : i32
      %mul3A_217 = arith.muli %add3A_181, %mul3A_216 : i32
      %add3A_218 = arith.addi %mul3A_2, %mul3A_217 : i32
      %add3A_219 = arith.constant 0 : i32
      %add3A_220 = arith.addi %add3A_218, %add3A_219 : i32
      %dma_start3A_221 = arith.constant 0 : i32
      %dma_start3A_222 = arith.constant 0 : i32
      %dma_start3A_223 = tpu.memref_slice %arg9[%dma_start3A_221, %dma_start3A_222] : memref<200x64xf32, #tpu.memory_space<vmem>> -> memref<50x64xf32, #tpu.memory_space<vmem>>
      %dma_start3A_224 = arith.constant 0 : i32
      %dma_start3A_225 = arith.constant 0 : i32
      %dma_start3A_226 = tpu.memref_slice %arg4[%add3A_220, %dma_start3A_224, %dma_start3A_225] : memref<16384x50x64xf32, #tpu.memory_space<hbm>> -> memref<1x50x64xf32, #tpu.memory_space<hbm>>
      %dma_start3A_227 = tpu.memref_squeeze %dma_start3A_226 : memref<1x50x64xf32, #tpu.memory_space<hbm>> -> memref<50x64xf32, #tpu.memory_space<hbm>>
      %dma_start3A_228 = arith.constant 0 : i32
      %dma_start3A_229 = arith.constant 0 : i32
      %dma_start3A_230 = tpu.memref_slice %arg4[%add3A_220, %dma_start3A_228, %dma_start3A_229] : memref<16384x50x64xf32, #tpu.memory_space<hbm>> -> memref<1x50x64xf32, #tpu.memory_space<hbm>>
      %dma_start3A_231 = tpu.memref_squeeze %dma_start3A_230 : memref<1x50x64xf32, #tpu.memory_space<hbm>> -> memref<50x64xf32, #tpu.memory_space<hbm>>
      %dma_start3A_232 = arith.constant 0 : i32
      %dma_start3A_233 = arith.constant 0 : i32
      %dma_start3A_234 = tpu.memref_slice %arg9[%dma_start3A_232, %dma_start3A_233] : memref<200x64xf32, #tpu.memory_space<vmem>> -> memref<50x64xf32, #tpu.memory_space<vmem>>
      tpu.enqueue_dma source(%dma_start3A_234 : memref<50x64xf32, #tpu.memory_space<vmem>>) target(%dma_start3A_231 : memref<50x64xf32, #tpu.memory_space<hbm>>) target_semaphore(%arg13 : memref<!tpu.dma_semaphore, #tpu.memory_space<semaphore_mem>>)
      %add3A_235 = arith.constant 1 : i32
      %add3A_236 = arith.addi %add3A_218, %add3A_235 : i32
      %dma_start3A_237 = arith.constant 50 : i32
      %dma_start3A_238 = arith.constant 0 : i32
      %dma_start3A_239 = tpu.memref_slice %arg9[%dma_start3A_237, %dma_start3A_238] : memref<200x64xf32, #tpu.memory_space<vmem>> -> memref<50x64xf32, #tpu.memory_space<vmem>>
      %dma_start3A_240 = arith.constant 0 : i32
      %dma_start3A_241 = arith.constant 0 : i32
      %dma_start3A_242 = tpu.memref_slice %arg4[%add3A_236, %dma_start3A_240, %dma_start3A_241] : memref<16384x50x64xf32, #tpu.memory_space<hbm>> -> memref<1x50x64xf32, #tpu.memory_space<hbm>>
      %dma_start3A_243 = tpu.memref_squeeze %dma_start3A_242 : memref<1x50x64xf32, #tpu.memory_space<hbm>> -> memref<50x64xf32, #tpu.memory_space<hbm>>
      %dma_start3A_244 = arith.constant 0 : i32
      %dma_start3A_245 = arith.constant 0 : i32
      %dma_start3A_246 = tpu.memref_slice %arg4[%add3A_236, %dma_start3A_244, %dma_start3A_245] : memref<16384x50x64xf32, #tpu.memory_space<hbm>> -> memref<1x50x64xf32, #tpu.memory_space<hbm>>
      %dma_start3A_247 = tpu.memref_squeeze %dma_start3A_246 : memref<1x50x64xf32, #tpu.memory_space<hbm>> -> memref<50x64xf32, #tpu.memory_space<hbm>>
      %dma_start3A_248 = arith.constant 50 : i32
      %dma_start3A_249 = arith.constant 0 : i32
      %dma_start3A_250 = tpu.memref_slice %arg9[%dma_start3A_248, %dma_start3A_249] : memref<200x64xf32, #tpu.memory_space<vmem>> -> memref<50x64xf32, #tpu.memory_space<vmem>>
      tpu.enqueue_dma source(%dma_start3A_250 : memref<50x64xf32, #tpu.memory_space<vmem>>) target(%dma_start3A_247 : memref<50x64xf32, #tpu.memory_space<hbm>>) target_semaphore(%arg13 : memref<!tpu.dma_semaphore, #tpu.memory_space<semaphore_mem>>)
      %add3A_251 = arith.constant 2 : i32
      %add3A_252 = arith.addi %add3A_218, %add3A_251 : i32
      %dma_start3A_253 = arith.constant 100 : i32
      %dma_start3A_254 = arith.constant 0 : i32
      %dma_start3A_255 = tpu.memref_slice %arg9[%dma_start3A_253, %dma_start3A_254] : memref<200x64xf32, #tpu.memory_space<vmem>> -> memref<50x64xf32, #tpu.memory_space<vmem>>
      %dma_start3A_256 = arith.constant 0 : i32
      %dma_start3A_257 = arith.constant 0 : i32
      %dma_start3A_258 = tpu.memref_slice %arg4[%add3A_252, %dma_start3A_256, %dma_start3A_257] : memref<16384x50x64xf32, #tpu.memory_space<hbm>> -> memref<1x50x64xf32, #tpu.memory_space<hbm>>
      %dma_start3A_259 = tpu.memref_squeeze %dma_start3A_258 : memref<1x50x64xf32, #tpu.memory_space<hbm>> -> memref<50x64xf32, #tpu.memory_space<hbm>>
      %dma_start3A_260 = arith.constant 0 : i32
      %dma_start3A_261 = arith.constant 0 : i32
      %dma_start3A_262 = tpu.memref_slice %arg4[%add3A_252, %dma_start3A_260, %dma_start3A_261] : memref<16384x50x64xf32, #tpu.memory_space<hbm>> -> memref<1x50x64xf32, #tpu.memory_space<hbm>>
      %dma_start3A_263 = tpu.memref_squeeze %dma_start3A_262 : memref<1x50x64xf32, #tpu.memory_space<hbm>> -> memref<50x64xf32, #tpu.memory_space<hbm>>
      %dma_start3A_264 = arith.constant 100 : i32
      %dma_start3A_265 = arith.constant 0 : i32
      %dma_start3A_266 = tpu.memref_slice %arg9[%dma_start3A_264, %dma_start3A_265] : memref<200x64xf32, #tpu.memory_space<vmem>> -> memref<50x64xf32, #tpu.memory_space<vmem>>
      tpu.enqueue_dma source(%dma_start3A_266 : memref<50x64xf32, #tpu.memory_space<vmem>>) target(%dma_start3A_263 : memref<50x64xf32, #tpu.memory_space<hbm>>) target_semaphore(%arg13 : memref<!tpu.dma_semaphore, #tpu.memory_space<semaphore_mem>>)
      %add3A_267 = arith.constant 3 : i32
      %add3A_268 = arith.addi %add3A_218, %add3A_267 : i32
      %dma_start3A_269 = arith.constant 150 : i32
      %dma_start3A_270 = arith.constant 0 : i32
      %dma_start3A_271 = tpu.memref_slice %arg9[%dma_start3A_269, %dma_start3A_270] : memref<200x64xf32, #tpu.memory_space<vmem>> -> memref<50x64xf32, #tpu.memory_space<vmem>>
      %dma_start3A_272 = arith.constant 0 : i32
      %dma_start3A_273 = arith.constant 0 : i32
      %dma_start3A_274 = tpu.memref_slice %arg4[%add3A_268, %dma_start3A_272, %dma_start3A_273] : memref<16384x50x64xf32, #tpu.memory_space<hbm>> -> memref<1x50x64xf32, #tpu.memory_space<hbm>>
      %dma_start3A_275 = tpu.memref_squeeze %dma_start3A_274 : memref<1x50x64xf32, #tpu.memory_space<hbm>> -> memref<50x64xf32, #tpu.memory_space<hbm>>
      %dma_start3A_276 = arith.constant 0 : i32
      %dma_start3A_277 = arith.constant 0 : i32
      %dma_start3A_278 = tpu.memref_slice %arg4[%add3A_268, %dma_start3A_276, %dma_start3A_277] : memref<16384x50x64xf32, #tpu.memory_space<hbm>> -> memref<1x50x64xf32, #tpu.memory_space<hbm>>
      %dma_start3A_279 = tpu.memref_squeeze %dma_start3A_278 : memref<1x50x64xf32, #tpu.memory_space<hbm>> -> memref<50x64xf32, #tpu.memory_space<hbm>>
      %dma_start3A_280 = arith.constant 150 : i32
      %dma_start3A_281 = arith.constant 0 : i32
      %dma_start3A_282 = tpu.memref_slice %arg9[%dma_start3A_280, %dma_start3A_281] : memref<200x64xf32, #tpu.memory_space<vmem>> -> memref<50x64xf32, #tpu.memory_space<vmem>>
      tpu.enqueue_dma source(%dma_start3A_282 : memref<50x64xf32, #tpu.memory_space<vmem>>) target(%dma_start3A_279 : memref<50x64xf32, #tpu.memory_space<hbm>>) target_semaphore(%arg13 : memref<!tpu.dma_semaphore, #tpu.memory_space<semaphore_mem>>)
      %add3A_283 = arith.constant 1 : i32
      %add3A_284 = arith.addi %add3A_181, %add3A_283 : i32
      %dma_wait3A_285 = arith.constant 0 : i32
      %dma_wait3A_286 = arith.constant 0 : i32
      %dma_wait3A_287 = tpu.memref_slice %arg8[%dma_wait3A_285, %dma_wait3A_286] : memref<200x128xf32, #tpu.memory_space<vmem>> -> memref<128x128xf32, #tpu.memory_space<vmem>>
      %dma_wait3A_288 = arith.constant 0 : i32
      %dma_wait3A_289 = tpu.memref_slice %arg6[%dma_wait3A_288] : memref<200xi32, #tpu.memory_space<vmem>> -> memref<128xi32, #tpu.memory_space<vmem>>
      %dma_wait3A_290 = arith.constant 0 : i32
      %dma_wait3A_291 = arith.constant 0 : i32
      %dma_wait3A_292 = tpu.memref_slice %arg2[%dma_wait3A_290, %dma_wait3A_291] : memref<1000000x128xf32, #tpu.memory_space<hbm>> -> memref<1000000x128xf32, #tpu.memory_space<hbm>>
      tpu.wait_indirect_dma semaphore(%arg12 : memref<!tpu.dma_semaphore, #tpu.memory_space<semaphore_mem>>) src(%dma_wait3A_292 : memref<1000000x128xf32, #tpu.memory_space<hbm>>) dst(%dma_wait3A_287 : memref<128x128xf32, #tpu.memory_space<vmem>>)
      %dma_wait3A_293 = arith.constant 128 : i32
      %dma_wait3A_294 = arith.constant 0 : i32
      %dma_wait3A_295 = tpu.memref_slice %arg8[%dma_wait3A_293, %dma_wait3A_294] : memref<200x128xf32, #tpu.memory_space<vmem>> -> memref<72x128xf32, #tpu.memory_space<vmem>>
      %dma_wait3A_296 = arith.constant 128 : i32
      %dma_wait3A_297 = tpu.memref_slice %arg6[%dma_wait3A_296] : memref<200xi32, #tpu.memory_space<vmem>> -> memref<72xi32, #tpu.memory_space<vmem>>
      %dma_wait3A_298 = arith.constant 0 : i32
      %dma_wait3A_299 = arith.constant 0 : i32
      %dma_wait3A_300 = tpu.memref_slice %arg2[%dma_wait3A_298, %dma_wait3A_299] : memref<1000000x128xf32, #tpu.memory_space<hbm>> -> memref<1000000x128xf32, #tpu.memory_space<hbm>>
      tpu.wait_indirect_dma semaphore(%arg12 : memref<!tpu.dma_semaphore, #tpu.memory_space<semaphore_mem>>) src(%dma_wait3A_300 : memref<1000000x128xf32, #tpu.memory_space<hbm>>) dst(%dma_wait3A_295 : memref<72x128xf32, #tpu.memory_space<vmem>>)
      %add3A_301 = arith.constant 2 : i32
      %add3A_302 = arith.addi %add3A_284, %add3A_301 : i32
      %lt3A_303 = arith.constant 128 : i32
      %lt3A_304 = arith.cmpi slt, %add3A_302, %lt3A_303 : i32
      %convert_element_type3A_305 = arith.extui %lt3A_304 : i1 to i32
      %cond3A_306 = arith.constant 0 : i32
      %cond3A_307 = arith.cmpi ne, %convert_element_type3A_305, %cond3A_306 : i32
      scf.if %cond3A_307 {
        %mul3A_390 = arith.constant 4 : i32
        %mul3A_391 = arith.muli %add3A_302, %mul3A_390 : i32
        %add3A_392 = arith.addi %mul3A_2, %mul3A_391 : i32
        %mul3A_393 = arith.constant 50 : i32
        %mul3A_394 = arith.muli %add3A_392, %mul3A_393 : i32
        %dma_start3A_395 = tpu.memref_slice %arg3[%mul3A_394] : memref<819200xi32, #tpu.memory_space<hbm>> -> memref<200xi32, #tpu.memory_space<hbm>>
        %dma_start3A_396 = tpu.memref_slice %arg3[%mul3A_394] : memref<819200xi32, #tpu.memory_space<hbm>> -> memref<200xi32, #tpu.memory_space<hbm>>
        tpu.enqueue_dma source(%dma_start3A_396 : memref<200xi32, #tpu.memory_space<hbm>>) target(%arg6 : memref<200xi32, #tpu.memory_space<vmem>>) target_semaphore(%arg16 : memref<!tpu.dma_semaphore, #tpu.memory_space<semaphore_mem>>)
      } else {
      }
      %ge3A_308 = arith.constant 2 : i32
      %ge3A_309 = arith.cmpi sge, %add3A_284, %ge3A_308 : i32
      %convert_element_type3A_310 = arith.extui %ge3A_309 : i1 to i32
      %cond3A_311 = arith.constant 0 : i32
      %cond3A_312 = arith.cmpi ne, %convert_element_type3A_310, %cond3A_311 : i32
      scf.if %cond3A_312 {
        %sub3A = arith.constant 2 : i32
        %sub3A_390 = arith.subi %add3A_284, %sub3A : i32
        %mul3A_391 = arith.constant 4 : i32
        %mul3A_392 = arith.muli %sub3A_390, %mul3A_391 : i32
        %add3A_393 = arith.addi %mul3A_2, %mul3A_392 : i32
        %add3A_394 = arith.constant 0 : i32
        %add3A_395 = arith.addi %add3A_393, %add3A_394 : i32
        %dma_wait3A_396 = arith.constant 0 : i32
        %dma_wait3A_397 = arith.constant 0 : i32
        %dma_wait3A_398 = tpu.memref_slice %arg10[%dma_wait3A_396, %dma_wait3A_397] : memref<200x64xf32, #tpu.memory_space<vmem>> -> memref<50x64xf32, #tpu.memory_space<vmem>>
        %dma_wait3A_399 = arith.constant 0 : i32
        %dma_wait3A_400 = arith.constant 0 : i32
        %dma_wait3A_401 = tpu.memref_slice %arg4[%add3A_395, %dma_wait3A_399, %dma_wait3A_400] : memref<16384x50x64xf32, #tpu.memory_space<hbm>> -> memref<1x50x64xf32, #tpu.memory_space<hbm>>
        %dma_wait3A_402 = tpu.memref_squeeze %dma_wait3A_401 : memref<1x50x64xf32, #tpu.memory_space<hbm>> -> memref<50x64xf32, #tpu.memory_space<hbm>>
        %dma_wait3A_403 = arith.constant 0 : i32
        %dma_wait3A_404 = arith.constant 0 : i32
        %dma_wait3A_405 = tpu.memref_slice %arg4[%add3A_395, %dma_wait3A_403, %dma_wait3A_404] : memref<16384x50x64xf32, #tpu.memory_space<hbm>> -> memref<1x50x64xf32, #tpu.memory_space<hbm>>
        %dma_wait3A_406 = tpu.memref_squeeze %dma_wait3A_405 : memref<1x50x64xf32, #tpu.memory_space<hbm>> -> memref<50x64xf32, #tpu.memory_space<hbm>>
        %dma_wait3A_407 = arith.constant 0 : i32
        %dma_wait3A_408 = arith.constant 0 : i32
        %dma_wait3A_409 = tpu.memref_slice %arg10[%dma_wait3A_407, %dma_wait3A_408] : memref<200x64xf32, #tpu.memory_space<vmem>> -> memref<50x64xf32, #tpu.memory_space<vmem>>
        tpu.wait_dma2 semaphore(%arg14 : memref<!tpu.dma_semaphore, #tpu.memory_space<semaphore_mem>>) src(%dma_wait3A_409 : memref<50x64xf32, #tpu.memory_space<vmem>>) dst(%dma_wait3A_406 : memref<50x64xf32, #tpu.memory_space<hbm>>)
        %add3A_410 = arith.constant 1 : i32
        %add3A_411 = arith.addi %add3A_393, %add3A_410 : i32
        %dma_wait3A_412 = arith.constant 50 : i32
        %dma_wait3A_413 = arith.constant 0 : i32
        %dma_wait3A_414 = tpu.memref_slice %arg10[%dma_wait3A_412, %dma_wait3A_413] : memref<200x64xf32, #tpu.memory_space<vmem>> -> memref<50x64xf32, #tpu.memory_space<vmem>>
        %dma_wait3A_415 = arith.constant 0 : i32
        %dma_wait3A_416 = arith.constant 0 : i32
        %dma_wait3A_417 = tpu.memref_slice %arg4[%add3A_411, %dma_wait3A_415, %dma_wait3A_416] : memref<16384x50x64xf32, #tpu.memory_space<hbm>> -> memref<1x50x64xf32, #tpu.memory_space<hbm>>
        %dma_wait3A_418 = tpu.memref_squeeze %dma_wait3A_417 : memref<1x50x64xf32, #tpu.memory_space<hbm>> -> memref<50x64xf32, #tpu.memory_space<hbm>>
        %dma_wait3A_419 = arith.constant 0 : i32
        %dma_wait3A_420 = arith.constant 0 : i32
        %dma_wait3A_421 = tpu.memref_slice %arg4[%add3A_411, %dma_wait3A_419, %dma_wait3A_420] : memref<16384x50x64xf32, #tpu.memory_space<hbm>> -> memref<1x50x64xf32, #tpu.memory_space<hbm>>
        %dma_wait3A_422 = tpu.memref_squeeze %dma_wait3A_421 : memref<1x50x64xf32, #tpu.memory_space<hbm>> -> memref<50x64xf32, #tpu.memory_space<hbm>>
        %dma_wait3A_423 = arith.constant 50 : i32
        %dma_wait3A_424 = arith.constant 0 : i32
        %dma_wait3A_425 = tpu.memref_slice %arg10[%dma_wait3A_423, %dma_wait3A_424] : memref<200x64xf32, #tpu.memory_space<vmem>> -> memref<50x64xf32, #tpu.memory_space<vmem>>
        tpu.wait_dma2 semaphore(%arg14 : memref<!tpu.dma_semaphore, #tpu.memory_space<semaphore_mem>>) src(%dma_wait3A_425 : memref<50x64xf32, #tpu.memory_space<vmem>>) dst(%dma_wait3A_422 : memref<50x64xf32, #tpu.memory_space<hbm>>)
        %add3A_426 = arith.constant 2 : i32
        %add3A_427 = arith.addi %add3A_393, %add3A_426 : i32
        %dma_wait3A_428 = arith.constant 100 : i32
        %dma_wait3A_429 = arith.constant 0 : i32
        %dma_wait3A_430 = tpu.memref_slice %arg10[%dma_wait3A_428, %dma_wait3A_429] : memref<200x64xf32, #tpu.memory_space<vmem>> -> memref<50x64xf32, #tpu.memory_space<vmem>>
        %dma_wait3A_431 = arith.constant 0 : i32
        %dma_wait3A_432 = arith.constant 0 : i32
        %dma_wait3A_433 = tpu.memref_slice %arg4[%add3A_427, %dma_wait3A_431, %dma_wait3A_432] : memref<16384x50x64xf32, #tpu.memory_space<hbm>> -> memref<1x50x64xf32, #tpu.memory_space<hbm>>
        %dma_wait3A_434 = tpu.memref_squeeze %dma_wait3A_433 : memref<1x50x64xf32, #tpu.memory_space<hbm>> -> memref<50x64xf32, #tpu.memory_space<hbm>>
        %dma_wait3A_435 = arith.constant 0 : i32
        %dma_wait3A_436 = arith.constant 0 : i32
        %dma_wait3A_437 = tpu.memref_slice %arg4[%add3A_427, %dma_wait3A_435, %dma_wait3A_436] : memref<16384x50x64xf32, #tpu.memory_space<hbm>> -> memref<1x50x64xf32, #tpu.memory_space<hbm>>
        %dma_wait3A_438 = tpu.memref_squeeze %dma_wait3A_437 : memref<1x50x64xf32, #tpu.memory_space<hbm>> -> memref<50x64xf32, #tpu.memory_space<hbm>>
        %dma_wait3A_439 = arith.constant 100 : i32
        %dma_wait3A_440 = arith.constant 0 : i32
        %dma_wait3A_441 = tpu.memref_slice %arg10[%dma_wait3A_439, %dma_wait3A_440] : memref<200x64xf32, #tpu.memory_space<vmem>> -> memref<50x64xf32, #tpu.memory_space<vmem>>
        tpu.wait_dma2 semaphore(%arg14 : memref<!tpu.dma_semaphore, #tpu.memory_space<semaphore_mem>>) src(%dma_wait3A_441 : memref<50x64xf32, #tpu.memory_space<vmem>>) dst(%dma_wait3A_438 : memref<50x64xf32, #tpu.memory_space<hbm>>)
        %add3A_442 = arith.constant 3 : i32
        %add3A_443 = arith.addi %add3A_393, %add3A_442 : i32
        %dma_wait3A_444 = arith.constant 150 : i32
        %dma_wait3A_445 = arith.constant 0 : i32
        %dma_wait3A_446 = tpu.memref_slice %arg10[%dma_wait3A_444, %dma_wait3A_445] : memref<200x64xf32, #tpu.memory_space<vmem>> -> memref<50x64xf32, #tpu.memory_space<vmem>>
        %dma_wait3A_447 = arith.constant 0 : i32
        %dma_wait3A_448 = arith.constant 0 : i32
        %dma_wait3A_449 = tpu.memref_slice %arg4[%add3A_443, %dma_wait3A_447, %dma_wait3A_448] : memref<16384x50x64xf32, #tpu.memory_space<hbm>> -> memref<1x50x64xf32, #tpu.memory_space<hbm>>
        %dma_wait3A_450 = tpu.memref_squeeze %dma_wait3A_449 : memref<1x50x64xf32, #tpu.memory_space<hbm>> -> memref<50x64xf32, #tpu.memory_space<hbm>>
        %dma_wait3A_451 = arith.constant 0 : i32
        %dma_wait3A_452 = arith.constant 0 : i32
        %dma_wait3A_453 = tpu.memref_slice %arg4[%add3A_443, %dma_wait3A_451, %dma_wait3A_452] : memref<16384x50x64xf32, #tpu.memory_space<hbm>> -> memref<1x50x64xf32, #tpu.memory_space<hbm>>
        %dma_wait3A_454 = tpu.memref_squeeze %dma_wait3A_453 : memref<1x50x64xf32, #tpu.memory_space<hbm>> -> memref<50x64xf32, #tpu.memory_space<hbm>>
        %dma_wait3A_455 = arith.constant 150 : i32
        %dma_wait3A_456 = arith.constant 0 : i32
        %dma_wait3A_457 = tpu.memref_slice %arg10[%dma_wait3A_455, %dma_wait3A_456] : memref<200x64xf32, #tpu.memory_space<vmem>> -> memref<50x64xf32, #tpu.memory_space<vmem>>
        tpu.wait_dma2 semaphore(%arg14 : memref<!tpu.dma_semaphore, #tpu.memory_space<semaphore_mem>>) src(%dma_wait3A_457 : memref<50x64xf32, #tpu.memory_space<vmem>>) dst(%dma_wait3A_454 : memref<50x64xf32, #tpu.memory_space<hbm>>)
      } else {
      }
      %scan3A_313 = arith.constant 0 : i32
      %scan3A_314 = arith.constant 200 : i32
      %scan3A_315 = arith.addi %scan3A_313, %scan3A_314 : i32
      %scan3A_316 = arith.constant 1 : i32
      scf.for %scan3A_390 = %scan3A_313 to %scan3A_315 step %scan3A_316  : i32 {
        %mul3A_391 = arith.constant 1 : i32
        %mul3A_392 = arith.muli %scan3A_390, %mul3A_391 : i32
        %add3A_393 = arith.constant 0 : i32
        %add3A_394 = arith.addi %add3A_393, %mul3A_392 : i32
        %get3A = arith.index_cast %add3A_394 : i32 to index
        %get3A_395 = arith.constant 0 : index
        %get3A_396 = tpu.vector_load %arg8[%get3A, %get3A_395] {strides = array<i32>} : memref<200x128xf32, #tpu.memory_space<vmem>>, vector<1x16xf32>,
        %get3A_397 = vector.shape_cast %get3A_396 : vector<1x16xf32> to vector<1x16xf32>
        %swap3A = arith.index_cast %add3A_394 : i32 to index
        %swap3A_398 = arith.constant 0 : index
        %swap3A_399 = tpu.vector_load %arg10[%swap3A, %swap3A_398] {strides = array<i32>} : memref<200x64xf32, #tpu.memory_space<vmem>>, vector<1x16xf32>,
        %swap3A_400 = vector.shape_cast %swap3A_399 : vector<1x16xf32> to vector<1x16xf32>
        %swap3A_401 = vector.shape_cast %get3A_397 : vector<1x16xf32> to vector<1x16xf32>
        tpu.vector_store %arg10[%swap3A, %swap3A_398], %swap3A_401 {strides = array<i32>} : memref<200x64xf32, #tpu.memory_space<vmem>>, vector<1x16xf32>,
        %get3A_402 = arith.index_cast %add3A_394 : i32 to index
        %get3A_403 = arith.constant 16 : index
        %get3A_404 = tpu.vector_load %arg8[%get3A_402, %get3A_403] {strides = array<i32>} : memref<200x128xf32, #tpu.memory_space<vmem>>, vector<1x16xf32>,
        %get3A_405 = vector.shape_cast %get3A_404 : vector<1x16xf32> to vector<1x16xf32>
        %swap3A_406 = arith.index_cast %add3A_394 : i32 to index
        %swap3A_407 = arith.constant 16 : index
        %swap3A_408 = tpu.vector_load %arg10[%swap3A_406, %swap3A_407] {strides = array<i32>} : memref<200x64xf32, #tpu.memory_space<vmem>>, vector<1x16xf32>,
        %swap3A_409 = vector.shape_cast %swap3A_408 : vector<1x16xf32> to vector<1x16xf32>
        %swap3A_410 = vector.shape_cast %get3A_405 : vector<1x16xf32> to vector<1x16xf32>
        tpu.vector_store %arg10[%swap3A_406, %swap3A_407], %swap3A_410 {strides = array<i32>} : memref<200x64xf32, #tpu.memory_space<vmem>>, vector<1x16xf32>,
        %get3A_411 = arith.index_cast %add3A_394 : i32 to index
        %get3A_412 = arith.constant 32 : index
        %get3A_413 = tpu.vector_load %arg8[%get3A_411, %get3A_412] {strides = array<i32>} : memref<200x128xf32, #tpu.memory_space<vmem>>, vector<1x16xf32>,
        %get3A_414 = vector.shape_cast %get3A_413 : vector<1x16xf32> to vector<1x16xf32>
        %swap3A_415 = arith.index_cast %add3A_394 : i32 to index
        %swap3A_416 = arith.constant 32 : index
        %swap3A_417 = tpu.vector_load %arg10[%swap3A_415, %swap3A_416] {strides = array<i32>} : memref<200x64xf32, #tpu.memory_space<vmem>>, vector<1x16xf32>,
        %swap3A_418 = vector.shape_cast %swap3A_417 : vector<1x16xf32> to vector<1x16xf32>
        %swap3A_419 = vector.shape_cast %get3A_414 : vector<1x16xf32> to vector<1x16xf32>
        tpu.vector_store %arg10[%swap3A_415, %swap3A_416], %swap3A_419 {strides = array<i32>} : memref<200x64xf32, #tpu.memory_space<vmem>>, vector<1x16xf32>,
        %get3A_420 = arith.index_cast %add3A_394 : i32 to index
        %get3A_421 = arith.constant 48 : index
        %get3A_422 = tpu.vector_load %arg8[%get3A_420, %get3A_421] {strides = array<i32>} : memref<200x128xf32, #tpu.memory_space<vmem>>, vector<1x16xf32>,
        %get3A_423 = vector.shape_cast %get3A_422 : vector<1x16xf32> to vector<1x16xf32>
        %swap3A_424 = arith.index_cast %add3A_394 : i32 to index
        %swap3A_425 = arith.constant 48 : index
        %swap3A_426 = tpu.vector_load %arg10[%swap3A_424, %swap3A_425] {strides = array<i32>} : memref<200x64xf32, #tpu.memory_space<vmem>>, vector<1x16xf32>,
        %swap3A_427 = vector.shape_cast %swap3A_426 : vector<1x16xf32> to vector<1x16xf32>
        %swap3A_428 = vector.shape_cast %get3A_423 : vector<1x16xf32> to vector<1x16xf32>
        tpu.vector_store %arg10[%swap3A_424, %swap3A_425], %swap3A_428 {strides = array<i32>} : memref<200x64xf32, #tpu.memory_space<vmem>>, vector<1x16xf32>,
      }
      %scan3A_317 = arith.constant 200 : i32
      %lt3A_318 = arith.constant 128 : i32
      %lt3A_319 = arith.cmpi slt, %add3A_302, %lt3A_318 : i32
      %convert_element_type3A_320 = arith.extui %lt3A_319 : i1 to i32
      %cond3A_321 = arith.constant 0 : i32
      %cond3A_322 = arith.cmpi ne, %convert_element_type3A_320, %cond3A_321 : i32
      scf.if %cond3A_322 {
        %mul3A_390 = arith.constant 4 : i32
        %mul3A_391 = arith.muli %add3A_302, %mul3A_390 : i32
        %add3A_392 = arith.addi %mul3A_2, %mul3A_391 : i32
        %mul3A_393 = arith.constant 50 : i32
        %mul3A_394 = arith.muli %add3A_392, %mul3A_393 : i32
        %dma_wait3A_395 = tpu.memref_slice %arg3[%mul3A_394] : memref<819200xi32, #tpu.memory_space<hbm>> -> memref<200xi32, #tpu.memory_space<hbm>>
        %dma_wait3A_396 = tpu.memref_slice %arg3[%mul3A_394] : memref<819200xi32, #tpu.memory_space<hbm>> -> memref<200xi32, #tpu.memory_space<hbm>>
        tpu.wait_dma2 semaphore(%arg16 : memref<!tpu.dma_semaphore, #tpu.memory_space<semaphore_mem>>) src(%dma_wait3A_396 : memref<200xi32, #tpu.memory_space<hbm>>) dst(%arg6 : memref<200xi32, #tpu.memory_space<vmem>>)
        %dma_start3A_397 = arith.constant 0 : i32
        %dma_start3A_398 = arith.constant 0 : i32
        %dma_start3A_399 = tpu.memref_slice %arg8[%dma_start3A_397, %dma_start3A_398] : memref<200x128xf32, #tpu.memory_space<vmem>> -> memref<128x128xf32, #tpu.memory_space<vmem>>
        %dma_start3A_400 = arith.constant 0 : i32
        %dma_start3A_401 = tpu.memref_slice %arg6[%dma_start3A_400] : memref<200xi32, #tpu.memory_space<vmem>> -> memref<128xi32, #tpu.memory_space<vmem>>
        %dma_start3A_402 = arith.constant 0 : i32
        %dma_start3A_403 = arith.constant 0 : i32
        %dma_start3A_404 = tpu.memref_slice %arg2[%dma_start3A_402, %dma_start3A_403] : memref<1000000x128xf32, #tpu.memory_space<hbm>> -> memref<1000000x128xf32, #tpu.memory_space<hbm>>
        tpu.enqueue_indirect_dma source(%dma_start3A_404 : memref<1000000x128xf32, #tpu.memory_space<hbm>>) target(%dma_start3A_399 : memref<128x128xf32, #tpu.memory_space<vmem>>) offsets(%dma_start3A_401 : memref<128xi32, #tpu.memory_space<vmem>>) semaphore(%arg12 : memref<!tpu.dma_semaphore, #tpu.memory_space<semaphore_mem>>)
        %dma_start3A_405 = arith.constant 128 : i32
        %dma_start3A_406 = arith.constant 0 : i32
        %dma_start3A_407 = tpu.memref_slice %arg8[%dma_start3A_405, %dma_start3A_406] : memref<200x128xf32, #tpu.memory_space<vmem>> -> memref<72x128xf32, #tpu.memory_space<vmem>>
        %dma_start3A_408 = arith.constant 128 : i32
        %dma_start3A_409 = tpu.memref_slice %arg6[%dma_start3A_408] : memref<200xi32, #tpu.memory_space<vmem>> -> memref<72xi32, #tpu.memory_space<vmem>>
        %dma_start3A_410 = arith.constant 0 : i32
        %dma_start3A_411 = arith.constant 0 : i32
        %dma_start3A_412 = tpu.memref_slice %arg2[%dma_start3A_410, %dma_start3A_411] : memref<1000000x128xf32, #tpu.memory_space<hbm>> -> memref<1000000x128xf32, #tpu.memory_space<hbm>>
        tpu.enqueue_indirect_dma source(%dma_start3A_412 : memref<1000000x128xf32, #tpu.memory_space<hbm>>) target(%dma_start3A_407 : memref<72x128xf32, #tpu.memory_space<vmem>>) offsets(%dma_start3A_409 : memref<72xi32, #tpu.memory_space<vmem>>) semaphore(%arg12 : memref<!tpu.dma_semaphore, #tpu.memory_space<semaphore_mem>>)
      } else {
      }
      %mul3A_323 = arith.constant 4 : i32
      %mul3A_324 = arith.muli %add3A_284, %mul3A_323 : i32
      %add3A_325 = arith.addi %mul3A_2, %mul3A_324 : i32
      %add3A_326 = arith.constant 0 : i32
      %add3A_327 = arith.addi %add3A_325, %add3A_326 : i32
      %dma_start3A_328 = arith.constant 0 : i32
      %dma_start3A_329 = arith.constant 0 : i32
      %dma_start3A_330 = tpu.memref_slice %arg10[%dma_start3A_328, %dma_start3A_329] : memref<200x64xf32, #tpu.memory_space<vmem>> -> memref<50x64xf32, #tpu.memory_space<vmem>>
      %dma_start3A_331 = arith.constant 0 : i32
      %dma_start3A_332 = arith.constant 0 : i32
      %dma_start3A_333 = tpu.memref_slice %arg4[%add3A_327, %dma_start3A_331, %dma_start3A_332] : memref<16384x50x64xf32, #tpu.memory_space<hbm>> -> memref<1x50x64xf32, #tpu.memory_space<hbm>>
      %dma_start3A_334 = tpu.memref_squeeze %dma_start3A_333 : memref<1x50x64xf32, #tpu.memory_space<hbm>> -> memref<50x64xf32, #tpu.memory_space<hbm>>
      %dma_start3A_335 = arith.constant 0 : i32
      %dma_start3A_336 = arith.constant 0 : i32
      %dma_start3A_337 = tpu.memref_slice %arg4[%add3A_327, %dma_start3A_335, %dma_start3A_336] : memref<16384x50x64xf32, #tpu.memory_space<hbm>> -> memref<1x50x64xf32, #tpu.memory_space<hbm>>
      %dma_start3A_338 = tpu.memref_squeeze %dma_start3A_337 : memref<1x50x64xf32, #tpu.memory_space<hbm>> -> memref<50x64xf32, #tpu.memory_space<hbm>>
      %dma_start3A_339 = arith.constant 0 : i32
      %dma_start3A_340 = arith.constant 0 : i32
      %dma_start3A_341 = tpu.memref_slice %arg10[%dma_start3A_339, %dma_start3A_340] : memref<200x64xf32, #tpu.memory_space<vmem>> -> memref<50x64xf32, #tpu.memory_space<vmem>>
      tpu.enqueue_dma source(%dma_start3A_341 : memref<50x64xf32, #tpu.memory_space<vmem>>) target(%dma_start3A_338 : memref<50x64xf32, #tpu.memory_space<hbm>>) target_semaphore(%arg14 : memref<!tpu.dma_semaphore, #tpu.memory_space<semaphore_mem>>)
      %add3A_342 = arith.constant 1 : i32
      %add3A_343 = arith.addi %add3A_325, %add3A_342 : i32
      %dma_start3A_344 = arith.constant 50 : i32
      %dma_start3A_345 = arith.constant 0 : i32
      %dma_start3A_346 = tpu.memref_slice %arg10[%dma_start3A_344, %dma_start3A_345] : memref<200x64xf32, #tpu.memory_space<vmem>> -> memref<50x64xf32, #tpu.memory_space<vmem>>
      %dma_start3A_347 = arith.constant 0 : i32
      %dma_start3A_348 = arith.constant 0 : i32
      %dma_start3A_349 = tpu.memref_slice %arg4[%add3A_343, %dma_start3A_347, %dma_start3A_348] : memref<16384x50x64xf32, #tpu.memory_space<hbm>> -> memref<1x50x64xf32, #tpu.memory_space<hbm>>
      %dma_start3A_350 = tpu.memref_squeeze %dma_start3A_349 : memref<1x50x64xf32, #tpu.memory_space<hbm>> -> memref<50x64xf32, #tpu.memory_space<hbm>>
      %dma_start3A_351 = arith.constant 0 : i32
      %dma_start3A_352 = arith.constant 0 : i32
      %dma_start3A_353 = tpu.memref_slice %arg4[%add3A_343, %dma_start3A_351, %dma_start3A_352] : memref<16384x50x64xf32, #tpu.memory_space<hbm>> -> memref<1x50x64xf32, #tpu.memory_space<hbm>>
      %dma_start3A_354 = tpu.memref_squeeze %dma_start3A_353 : memref<1x50x64xf32, #tpu.memory_space<hbm>> -> memref<50x64xf32, #tpu.memory_space<hbm>>
      %dma_start3A_355 = arith.constant 50 : i32
      %dma_start3A_356 = arith.constant 0 : i32
      %dma_start3A_357 = tpu.memref_slice %arg10[%dma_start3A_355, %dma_start3A_356] : memref<200x64xf32, #tpu.memory_space<vmem>> -> memref<50x64xf32, #tpu.memory_space<vmem>>
      tpu.enqueue_dma source(%dma_start3A_357 : memref<50x64xf32, #tpu.memory_space<vmem>>) target(%dma_start3A_354 : memref<50x64xf32, #tpu.memory_space<hbm>>) target_semaphore(%arg14 : memref<!tpu.dma_semaphore, #tpu.memory_space<semaphore_mem>>)
      %add3A_358 = arith.constant 2 : i32
      %add3A_359 = arith.addi %add3A_325, %add3A_358 : i32
      %dma_start3A_360 = arith.constant 100 : i32
      %dma_start3A_361 = arith.constant 0 : i32
      %dma_start3A_362 = tpu.memref_slice %arg10[%dma_start3A_360, %dma_start3A_361] : memref<200x64xf32, #tpu.memory_space<vmem>> -> memref<50x64xf32, #tpu.memory_space<vmem>>
      %dma_start3A_363 = arith.constant 0 : i32
      %dma_start3A_364 = arith.constant 0 : i32
      %dma_start3A_365 = tpu.memref_slice %arg4[%add3A_359, %dma_start3A_363, %dma_start3A_364] : memref<16384x50x64xf32, #tpu.memory_space<hbm>> -> memref<1x50x64xf32, #tpu.memory_space<hbm>>
      %dma_start3A_366 = tpu.memref_squeeze %dma_start3A_365 : memref<1x50x64xf32, #tpu.memory_space<hbm>> -> memref<50x64xf32, #tpu.memory_space<hbm>>
      %dma_start3A_367 = arith.constant 0 : i32
      %dma_start3A_368 = arith.constant 0 : i32
      %dma_start3A_369 = tpu.memref_slice %arg4[%add3A_359, %dma_start3A_367, %dma_start3A_368] : memref<16384x50x64xf32, #tpu.memory_space<hbm>> -> memref<1x50x64xf32, #tpu.memory_space<hbm>>
      %dma_start3A_370 = tpu.memref_squeeze %dma_start3A_369 : memref<1x50x64xf32, #tpu.memory_space<hbm>> -> memref<50x64xf32, #tpu.memory_space<hbm>>
      %dma_start3A_371 = arith.constant 100 : i32
      %dma_start3A_372 = arith.constant 0 : i32
      %dma_start3A_373 = tpu.memref_slice %arg10[%dma_start3A_371, %dma_start3A_372] : memref<200x64xf32, #tpu.memory_space<vmem>> -> memref<50x64xf32, #tpu.memory_space<vmem>>
      tpu.enqueue_dma source(%dma_start3A_373 : memref<50x64xf32, #tpu.memory_space<vmem>>) target(%dma_start3A_370 : memref<50x64xf32, #tpu.memory_space<hbm>>) target_semaphore(%arg14 : memref<!tpu.dma_semaphore, #tpu.memory_space<semaphore_mem>>)
      %add3A_374 = arith.constant 3 : i32
      %add3A_375 = arith.addi %add3A_325, %add3A_374 : i32
      %dma_start3A_376 = arith.constant 150 : i32
      %dma_start3A_377 = arith.constant 0 : i32
      %dma_start3A_378 = tpu.memref_slice %arg10[%dma_start3A_376, %dma_start3A_377] : memref<200x64xf32, #tpu.memory_space<vmem>> -> memref<50x64xf32, #tpu.memory_space<vmem>>
      %dma_start3A_379 = arith.constant 0 : i32
      %dma_start3A_380 = arith.constant 0 : i32
      %dma_start3A_381 = tpu.memref_slice %arg4[%add3A_375, %dma_start3A_379, %dma_start3A_380] : memref<16384x50x64xf32, #tpu.memory_space<hbm>> -> memref<1x50x64xf32, #tpu.memory_space<hbm>>
      %dma_start3A_382 = tpu.memref_squeeze %dma_start3A_381 : memref<1x50x64xf32, #tpu.memory_space<hbm>> -> memref<50x64xf32, #tpu.memory_space<hbm>>
      %dma_start3A_383 = arith.constant 0 : i32
      %dma_start3A_384 = arith.constant 0 : i32
      %dma_start3A_385 = tpu.memref_slice %arg4[%add3A_375, %dma_start3A_383, %dma_start3A_384] : memref<16384x50x64xf32, #tpu.memory_space<hbm>> -> memref<1x50x64xf32, #tpu.memory_space<hbm>>
      %dma_start3A_386 = tpu.memref_squeeze %dma_start3A_385 : memref<1x50x64xf32, #tpu.memory_space<hbm>> -> memref<50x64xf32, #tpu.memory_space<hbm>>
      %dma_start3A_387 = arith.constant 150 : i32
      %dma_start3A_388 = arith.constant 0 : i32
      %dma_start3A_389 = tpu.memref_slice %arg10[%dma_start3A_387, %dma_start3A_388] : memref<200x64xf32, #tpu.memory_space<vmem>> -> memref<50x64xf32, #tpu.memory_space<vmem>>
      tpu.enqueue_dma source(%dma_start3A_389 : memref<50x64xf32, #tpu.memory_space<vmem>>) target(%dma_start3A_386 : memref<50x64xf32, #tpu.memory_space<hbm>>) target_semaphore(%arg14 : memref<!tpu.dma_semaphore, #tpu.memory_space<semaphore_mem>>)
    }
    %scan3A_45 = arith.constant 64 : i32
    %add3A_46 = arith.constant 504 : i32
    %add3A_47 = arith.addi %mul3A_2, %add3A_46 : i32
    %add3A_48 = arith.constant 0 : i32
    %add3A_49 = arith.addi %add3A_47, %add3A_48 : i32
    %dma_wait3A = arith.constant 0 : i32
    %dma_wait3A_50 = arith.constant 0 : i32
    %dma_wait3A_51 = tpu.memref_slice %arg9[%dma_wait3A, %dma_wait3A_50] : memref<200x64xf32, #tpu.memory_space<vmem>> -> memref<50x64xf32, #tpu.memory_space<vmem>>
    %dma_wait3A_52 = arith.constant 0 : i32
    %dma_wait3A_53 = arith.constant 0 : i32
    %dma_wait3A_54 = tpu.memref_slice %arg4[%add3A_49, %dma_wait3A_52, %dma_wait3A_53] : memref<16384x50x64xf32, #tpu.memory_space<hbm>> -> memref<1x50x64xf32, #tpu.memory_space<hbm>>
    %dma_wait3A_55 = tpu.memref_squeeze %dma_wait3A_54 : memref<1x50x64xf32, #tpu.memory_space<hbm>> -> memref<50x64xf32, #tpu.memory_space<hbm>>
    %dma_wait3A_56 = arith.constant 0 : i32
    %dma_wait3A_57 = arith.constant 0 : i32
    %dma_wait3A_58 = tpu.memref_slice %arg4[%add3A_49, %dma_wait3A_56, %dma_wait3A_57] : memref<16384x50x64xf32, #tpu.memory_space<hbm>> -> memref<1x50x64xf32, #tpu.memory_space<hbm>>
    %dma_wait3A_59 = tpu.memref_squeeze %dma_wait3A_58 : memref<1x50x64xf32, #tpu.memory_space<hbm>> -> memref<50x64xf32, #tpu.memory_space<hbm>>
    %dma_wait3A_60 = arith.constant 0 : i32
    %dma_wait3A_61 = arith.constant 0 : i32
    %dma_wait3A_62 = tpu.memref_slice %arg9[%dma_wait3A_60, %dma_wait3A_61] : memref<200x64xf32, #tpu.memory_space<vmem>> -> memref<50x64xf32, #tpu.memory_space<vmem>>
    tpu.wait_dma2 semaphore(%arg13 : memref<!tpu.dma_semaphore, #tpu.memory_space<semaphore_mem>>) src(%dma_wait3A_62 : memref<50x64xf32, #tpu.memory_space<vmem>>) dst(%dma_wait3A_59 : memref<50x64xf32, #tpu.memory_space<hbm>>)
    %add3A_63 = arith.constant 1 : i32
    %add3A_64 = arith.addi %add3A_47, %add3A_63 : i32
    %dma_wait3A_65 = arith.constant 50 : i32
    %dma_wait3A_66 = arith.constant 0 : i32
    %dma_wait3A_67 = tpu.memref_slice %arg9[%dma_wait3A_65, %dma_wait3A_66] : memref<200x64xf32, #tpu.memory_space<vmem>> -> memref<50x64xf32, #tpu.memory_space<vmem>>
    %dma_wait3A_68 = arith.constant 0 : i32
    %dma_wait3A_69 = arith.constant 0 : i32
    %dma_wait3A_70 = tpu.memref_slice %arg4[%add3A_64, %dma_wait3A_68, %dma_wait3A_69] : memref<16384x50x64xf32, #tpu.memory_space<hbm>> -> memref<1x50x64xf32, #tpu.memory_space<hbm>>
    %dma_wait3A_71 = tpu.memref_squeeze %dma_wait3A_70 : memref<1x50x64xf32, #tpu.memory_space<hbm>> -> memref<50x64xf32, #tpu.memory_space<hbm>>
    %dma_wait3A_72 = arith.constant 0 : i32
    %dma_wait3A_73 = arith.constant 0 : i32
    %dma_wait3A_74 = tpu.memref_slice %arg4[%add3A_64, %dma_wait3A_72, %dma_wait3A_73] : memref<16384x50x64xf32, #tpu.memory_space<hbm>> -> memref<1x50x64xf32, #tpu.memory_space<hbm>>
    %dma_wait3A_75 = tpu.memref_squeeze %dma_wait3A_74 : memref<1x50x64xf32, #tpu.memory_space<hbm>> -> memref<50x64xf32, #tpu.memory_space<hbm>>
    %dma_wait3A_76 = arith.constant 50 : i32
    %dma_wait3A_77 = arith.constant 0 : i32
    %dma_wait3A_78 = tpu.memref_slice %arg9[%dma_wait3A_76, %dma_wait3A_77] : memref<200x64xf32, #tpu.memory_space<vmem>> -> memref<50x64xf32, #tpu.memory_space<vmem>>
    tpu.wait_dma2 semaphore(%arg13 : memref<!tpu.dma_semaphore, #tpu.memory_space<semaphore_mem>>) src(%dma_wait3A_78 : memref<50x64xf32, #tpu.memory_space<vmem>>) dst(%dma_wait3A_75 : memref<50x64xf32, #tpu.memory_space<hbm>>)
    %add3A_79 = arith.constant 2 : i32
    %add3A_80 = arith.addi %add3A_47, %add3A_79 : i32
    %dma_wait3A_81 = arith.constant 100 : i32
    %dma_wait3A_82 = arith.constant 0 : i32
    %dma_wait3A_83 = tpu.memref_slice %arg9[%dma_wait3A_81, %dma_wait3A_82] : memref<200x64xf32, #tpu.memory_space<vmem>> -> memref<50x64xf32, #tpu.memory_space<vmem>>
    %dma_wait3A_84 = arith.constant 0 : i32
    %dma_wait3A_85 = arith.constant 0 : i32
    %dma_wait3A_86 = tpu.memref_slice %arg4[%add3A_80, %dma_wait3A_84, %dma_wait3A_85] : memref<16384x50x64xf32, #tpu.memory_space<hbm>> -> memref<1x50x64xf32, #tpu.memory_space<hbm>>
    %dma_wait3A_87 = tpu.memref_squeeze %dma_wait3A_86 : memref<1x50x64xf32, #tpu.memory_space<hbm>> -> memref<50x64xf32, #tpu.memory_space<hbm>>
    %dma_wait3A_88 = arith.constant 0 : i32
    %dma_wait3A_89 = arith.constant 0 : i32
    %dma_wait3A_90 = tpu.memref_slice %arg4[%add3A_80, %dma_wait3A_88, %dma_wait3A_89] : memref<16384x50x64xf32, #tpu.memory_space<hbm>> -> memref<1x50x64xf32, #tpu.memory_space<hbm>>
    %dma_wait3A_91 = tpu.memref_squeeze %dma_wait3A_90 : memref<1x50x64xf32, #tpu.memory_space<hbm>> -> memref<50x64xf32, #tpu.memory_space<hbm>>
    %dma_wait3A_92 = arith.constant 100 : i32
    %dma_wait3A_93 = arith.constant 0 : i32
    %dma_wait3A_94 = tpu.memref_slice %arg9[%dma_wait3A_92, %dma_wait3A_93] : memref<200x64xf32, #tpu.memory_space<vmem>> -> memref<50x64xf32, #tpu.memory_space<vmem>>
    tpu.wait_dma2 semaphore(%arg13 : memref<!tpu.dma_semaphore, #tpu.memory_space<semaphore_mem>>) src(%dma_wait3A_94 : memref<50x64xf32, #tpu.memory_space<vmem>>) dst(%dma_wait3A_91 : memref<50x64xf32, #tpu.memory_space<hbm>>)
    %add3A_95 = arith.constant 3 : i32
    %add3A_96 = arith.addi %add3A_47, %add3A_95 : i32
    %dma_wait3A_97 = arith.constant 150 : i32
    %dma_wait3A_98 = arith.constant 0 : i32
    %dma_wait3A_99 = tpu.memref_slice %arg9[%dma_wait3A_97, %dma_wait3A_98] : memref<200x64xf32, #tpu.memory_space<vmem>> -> memref<50x64xf32, #tpu.memory_space<vmem>>
    %dma_wait3A_100 = arith.constant 0 : i32
    %dma_wait3A_101 = arith.constant 0 : i32
    %dma_wait3A_102 = tpu.memref_slice %arg4[%add3A_96, %dma_wait3A_100, %dma_wait3A_101] : memref<16384x50x64xf32, #tpu.memory_space<hbm>> -> memref<1x50x64xf32, #tpu.memory_space<hbm>>
    %dma_wait3A_103 = tpu.memref_squeeze %dma_wait3A_102 : memref<1x50x64xf32, #tpu.memory_space<hbm>> -> memref<50x64xf32, #tpu.memory_space<hbm>>
    %dma_wait3A_104 = arith.constant 0 : i32
    %dma_wait3A_105 = arith.constant 0 : i32
    %dma_wait3A_106 = tpu.memref_slice %arg4[%add3A_96, %dma_wait3A_104, %dma_wait3A_105] : memref<16384x50x64xf32, #tpu.memory_space<hbm>> -> memref<1x50x64xf32, #tpu.memory_space<hbm>>
    %dma_wait3A_107 = tpu.memref_squeeze %dma_wait3A_106 : memref<1x50x64xf32, #tpu.memory_space<hbm>> -> memref<50x64xf32, #tpu.memory_space<hbm>>
    %dma_wait3A_108 = arith.constant 150 : i32
    %dma_wait3A_109 = arith.constant 0 : i32
    %dma_wait3A_110 = tpu.memref_slice %arg9[%dma_wait3A_108, %dma_wait3A_109] : memref<200x64xf32, #tpu.memory_space<vmem>> -> memref<50x64xf32, #tpu.memory_space<vmem>>
    tpu.wait_dma2 semaphore(%arg13 : memref<!tpu.dma_semaphore, #tpu.memory_space<semaphore_mem>>) src(%dma_wait3A_110 : memref<50x64xf32, #tpu.memory_space<vmem>>) dst(%dma_wait3A_107 : memref<50x64xf32, #tpu.memory_space<hbm>>)
    %add3A_111 = arith.constant 508 : i32
    %add3A_112 = arith.addi %mul3A_2, %add3A_111 : i32
    %add3A_113 = arith.constant 0 : i32
    %add3A_114 = arith.addi %add3A_112, %add3A_113 : i32
    %dma_wait3A_115 = arith.constant 0 : i32
    %dma_wait3A_116 = arith.constant 0 : i32
    %dma_wait3A_117 = tpu.memref_slice %arg10[%dma_wait3A_115, %dma_wait3A_116] : memref<200x64xf32, #tpu.memory_space<vmem>> -> memref<50x64xf32, #tpu.memory_space<vmem>>
    %dma_wait3A_118 = arith.constant 0 : i32
    %dma_wait3A_119 = arith.constant 0 : i32
    %dma_wait3A_120 = tpu.memref_slice %arg4[%add3A_114, %dma_wait3A_118, %dma_wait3A_119] : memref<16384x50x64xf32, #tpu.memory_space<hbm>> -> memref<1x50x64xf32, #tpu.memory_space<hbm>>
    %dma_wait3A_121 = tpu.memref_squeeze %dma_wait3A_120 : memref<1x50x64xf32, #tpu.memory_space<hbm>> -> memref<50x64xf32, #tpu.memory_space<hbm>>
    %dma_wait3A_122 = arith.constant 0 : i32
    %dma_wait3A_123 = arith.constant 0 : i32
    %dma_wait3A_124 = tpu.memref_slice %arg4[%add3A_114, %dma_wait3A_122, %dma_wait3A_123] : memref<16384x50x64xf32, #tpu.memory_space<hbm>> -> memref<1x50x64xf32, #tpu.memory_space<hbm>>
    %dma_wait3A_125 = tpu.memref_squeeze %dma_wait3A_124 : memref<1x50x64xf32, #tpu.memory_space<hbm>> -> memref<50x64xf32, #tpu.memory_space<hbm>>
    %dma_wait3A_126 = arith.constant 0 : i32
    %dma_wait3A_127 = arith.constant 0 : i32
    %dma_wait3A_128 = tpu.memref_slice %arg10[%dma_wait3A_126, %dma_wait3A_127] : memref<200x64xf32, #tpu.memory_space<vmem>> -> memref<50x64xf32, #tpu.memory_space<vmem>>
    tpu.wait_dma2 semaphore(%arg14 : memref<!tpu.dma_semaphore, #tpu.memory_space<semaphore_mem>>) src(%dma_wait3A_128 : memref<50x64xf32, #tpu.memory_space<vmem>>) dst(%dma_wait3A_125 : memref<50x64xf32, #tpu.memory_space<hbm>>)
    %add3A_129 = arith.constant 1 : i32
    %add3A_130 = arith.addi %add3A_112, %add3A_129 : i32
    %dma_wait3A_131 = arith.constant 50 : i32
    %dma_wait3A_132 = arith.constant 0 : i32
    %dma_wait3A_133 = tpu.memref_slice %arg10[%dma_wait3A_131, %dma_wait3A_132] : memref<200x64xf32, #tpu.memory_space<vmem>> -> memref<50x64xf32, #tpu.memory_space<vmem>>
    %dma_wait3A_134 = arith.constant 0 : i32
    %dma_wait3A_135 = arith.constant 0 : i32
    %dma_wait3A_136 = tpu.memref_slice %arg4[%add3A_130, %dma_wait3A_134, %dma_wait3A_135] : memref<16384x50x64xf32, #tpu.memory_space<hbm>> -> memref<1x50x64xf32, #tpu.memory_space<hbm>>
    %dma_wait3A_137 = tpu.memref_squeeze %dma_wait3A_136 : memref<1x50x64xf32, #tpu.memory_space<hbm>> -> memref<50x64xf32, #tpu.memory_space<hbm>>
    %dma_wait3A_138 = arith.constant 0 : i32
    %dma_wait3A_139 = arith.constant 0 : i32
    %dma_wait3A_140 = tpu.memref_slice %arg4[%add3A_130, %dma_wait3A_138, %dma_wait3A_139] : memref<16384x50x64xf32, #tpu.memory_space<hbm>> -> memref<1x50x64xf32, #tpu.memory_space<hbm>>
    %dma_wait3A_141 = tpu.memref_squeeze %dma_wait3A_140 : memref<1x50x64xf32, #tpu.memory_space<hbm>> -> memref<50x64xf32, #tpu.memory_space<hbm>>
    %dma_wait3A_142 = arith.constant 50 : i32
    %dma_wait3A_143 = arith.constant 0 : i32
    %dma_wait3A_144 = tpu.memref_slice %arg10[%dma_wait3A_142, %dma_wait3A_143] : memref<200x64xf32, #tpu.memory_space<vmem>> -> memref<50x64xf32, #tpu.memory_space<vmem>>
    tpu.wait_dma2 semaphore(%arg14 : memref<!tpu.dma_semaphore, #tpu.memory_space<semaphore_mem>>) src(%dma_wait3A_144 : memref<50x64xf32, #tpu.memory_space<vmem>>) dst(%dma_wait3A_141 : memref<50x64xf32, #tpu.memory_space<hbm>>)
    %add3A_145 = arith.constant 2 : i32
    %add3A_146 = arith.addi %add3A_112, %add3A_145 : i32
    %dma_wait3A_147 = arith.constant 100 : i32
    %dma_wait3A_148 = arith.constant 0 : i32
    %dma_wait3A_149 = tpu.memref_slice %arg10[%dma_wait3A_147, %dma_wait3A_148] : memref<200x64xf32, #tpu.memory_space<vmem>> -> memref<50x64xf32, #tpu.memory_space<vmem>>
    %dma_wait3A_150 = arith.constant 0 : i32
    %dma_wait3A_151 = arith.constant 0 : i32
    %dma_wait3A_152 = tpu.memref_slice %arg4[%add3A_146, %dma_wait3A_150, %dma_wait3A_151] : memref<16384x50x64xf32, #tpu.memory_space<hbm>> -> memref<1x50x64xf32, #tpu.memory_space<hbm>>
    %dma_wait3A_153 = tpu.memref_squeeze %dma_wait3A_152 : memref<1x50x64xf32, #tpu.memory_space<hbm>> -> memref<50x64xf32, #tpu.memory_space<hbm>>
    %dma_wait3A_154 = arith.constant 0 : i32
    %dma_wait3A_155 = arith.constant 0 : i32
    %dma_wait3A_156 = tpu.memref_slice %arg4[%add3A_146, %dma_wait3A_154, %dma_wait3A_155] : memref<16384x50x64xf32, #tpu.memory_space<hbm>> -> memref<1x50x64xf32, #tpu.memory_space<hbm>>
    %dma_wait3A_157 = tpu.memref_squeeze %dma_wait3A_156 : memref<1x50x64xf32, #tpu.memory_space<hbm>> -> memref<50x64xf32, #tpu.memory_space<hbm>>
    %dma_wait3A_158 = arith.constant 100 : i32
    %dma_wait3A_159 = arith.constant 0 : i32
    %dma_wait3A_160 = tpu.memref_slice %arg10[%dma_wait3A_158, %dma_wait3A_159] : memref<200x64xf32, #tpu.memory_space<vmem>> -> memref<50x64xf32, #tpu.memory_space<vmem>>
    tpu.wait_dma2 semaphore(%arg14 : memref<!tpu.dma_semaphore, #tpu.memory_space<semaphore_mem>>) src(%dma_wait3A_160 : memref<50x64xf32, #tpu.memory_space<vmem>>) dst(%dma_wait3A_157 : memref<50x64xf32, #tpu.memory_space<hbm>>)
    %add3A_161 = arith.constant 3 : i32
    %add3A_162 = arith.addi %add3A_112, %add3A_161 : i32
    %dma_wait3A_163 = arith.constant 150 : i32
    %dma_wait3A_164 = arith.constant 0 : i32
    %dma_wait3A_165 = tpu.memref_slice %arg10[%dma_wait3A_163, %dma_wait3A_164] : memref<200x64xf32, #tpu.memory_space<vmem>> -> memref<50x64xf32, #tpu.memory_space<vmem>>
    %dma_wait3A_166 = arith.constant 0 : i32
    %dma_wait3A_167 = arith.constant 0 : i32
    %dma_wait3A_168 = tpu.memref_slice %arg4[%add3A_162, %dma_wait3A_166, %dma_wait3A_167] : memref<16384x50x64xf32, #tpu.memory_space<hbm>> -> memref<1x50x64xf32, #tpu.memory_space<hbm>>
    %dma_wait3A_169 = tpu.memref_squeeze %dma_wait3A_168 : memref<1x50x64xf32, #tpu.memory_space<hbm>> -> memref<50x64xf32, #tpu.memory_space<hbm>>
    %dma_wait3A_170 = arith.constant 0 : i32
    %dma_wait3A_171 = arith.constant 0 : i32
    %dma_wait3A_172 = tpu.memref_slice %arg4[%add3A_162, %dma_wait3A_170, %dma_wait3A_171] : memref<16384x50x64xf32, #tpu.memory_space<hbm>> -> memref<1x50x64xf32, #tpu.memory_space<hbm>>
    %dma_wait3A_173 = tpu.memref_squeeze %dma_wait3A_172 : memref<1x50x64xf32, #tpu.memory_space<hbm>> -> memref<50x64xf32, #tpu.memory_space<hbm>>
    %dma_wait3A_174 = arith.constant 150 : i32
    %dma_wait3A_175 = arith.constant 0 : i32
    %dma_wait3A_176 = tpu.memref_slice %arg10[%dma_wait3A_174, %dma_wait3A_175] : memref<200x64xf32, #tpu.memory_space<vmem>> -> memref<50x64xf32, #tpu.memory_space<vmem>>
    tpu.wait_dma2 semaphore(%arg14 : memref<!tpu.dma_semaphore, #tpu.memory_space<semaphore_mem>>) src(%dma_wait3A_176 : memref<50x64xf32, #tpu.memory_space<vmem>>) dst(%dma_wait3A_173 : memref<50x64xf32, #tpu.memory_space<hbm>>)
    return
  }
}

</mosaic_0001>

<sc_bundles>
// kernel: wrapper.3.cloned.1.call-start
scs
__scs_entry_jumppad:
0x0: {  	(pc) =	sbr.rel $0x88, $3  }
0x1: {  	(tag) =	ssettag $0x0;
	lr =	simm.s32 $0x1  }
0x2: {  	[smem:$0x3F9F] =	sst lr;
	_ =	strace $0xD0000000  }
0x3: {  	_ = 	snop  }
0x4: {  	_ = 	snop  }
0x5: {  	_ = 	snop  }
0x6: {  	_ = 	snop  }
0x7: {  	_ = 	snop  }
__scs_overlays_trampoline_lowered:
0x8: {  	[smem:$0x3FAE] =	sst s0  }
0x9: {  	[smem:$0x3FAF] =	sst s1  }
0xa: {  	[smem:$0x3FB0] =	sst s2  }
0xb: {  	[smem:$0x3FB1] =	sst s3  }
0xc: {  	[smem:$0x3FB2] =	sst s4  }
0xd: {  	[smem:$0x3FB3] =	sst s5  }
0xe: {  	[smem:$0x3FB4] =	sst s6  }
0xf: {  	[smem:$0x3FB5] =	sst s7  }
0x10: {  	[smem:$0x3FB6] =	sst s8  }
0x11: {  	[smem:$0x3FB7] =	sst s9;
	s0 =	simm.s32 @!p0 $0x0  }
0x12: {  	s1 =	sld [smem:$0x3F9D];
	s0 =	simm.s32 @p0 $0x1  }
0x13: {  	[smem:$0x3FB8] =	sst s0;
	s0 =	simm.s32 @!p1 $0x0  }
0x14: {  	s2 =	sld [smem:$0x3F9C];
	s0 =	simm.s32 @p1 $0x1  }
0x15: {  	[smem:$0x3FB9] =	sst s0;
	s0 =	simm.s32 @!p2 $0x0  }
0x16: {  	s3 =	sld [smem:$0x3FDB];
	s0 =	simm.s32 @p2 $0x1  }
0x17: {  	s4 =	simm.s32 $0x1BF5;
	[smem:$0x3FBB] =	sst s0  }
0x18: {  	s0 =	sld [smem:$0x3F9E];
	_ =	swait.ge [sflag:s4], $0x0  }
0x19: {  	s7 =	sld [smem:$0x3F9F]  }
0x1a: {  	s8 =	sadd.s32 $0xFFFFE003, lr  }
0x1b: {  	s9 =	sadd.s32 $0xFFFFFEF7, lr;
	s5 =	simm.s32 $0xFFFFFFFF;
	p2 =	slt.u32 s8, $0xFFFFF086  }
0x1c: {  	p1 =	slt.u32 s9, $0xF7A;
	s5 =	simm.s32 @!p2 $0x0  }
0x1d: {  	s5 =	simm.s32 @p1 $0x1;
	p0 =	seq.s32 s7, s2  }
0x1e: {  	s7 =	smul.u32 @!p0 $0xF7A, s2;
	p2 =	seq.s32 @!p0 s5, $0x0  }
0x1f: {  	s9 =	smul.u32 $0xF7A, s1;
	s8 =	simm.s32 @!p0 $0x1BF5;
	p2 =	por !p2, p0  }
0x20: {  	[sflag:s8] =	ssyncset.s32 @!p0 $0xFFFFF086;
	s6 =	sadd.s32 @!p0 s3, s7;
	s7 =	simm.s32 @!p0 $0x108  }
0x21: {  	s3 =	sadd.s32 s3, s9;
	s6 =	sadd.s32 @!p0 $0x88, s6;
	s7 =	simm.s32 @p2 $0x1082  }
0x22: {  	[simem:s7], [sflag:s8] =	dma.local @!p0 [hbm:s6], $0xF7A  }
0x23: {  	s9 =	sor.u32 $0xD0000000, s2;
	s6 =	simm.s32 $0x108;
	_ =	swait.ge @!p0 [sflag:s8], $0x0  }
0x24: {  	s3 =	sadd.s32 $0x88, s3;
	s6 =	simm.s32 @!p1 $0x1082;
	[sflag:s4] =	ssyncset.s32 $0xFFFFF086  }
0x25: {  	[simem:s6], [sflag:s4] =	dma.local [hbm:s3], $0xF7A  }
0x26: {  	[smem:$0x3F9F] =	sst s1;
	(tag) =	ssettag s2;
	_ =	strace s9  }
0x27: {  	s1 =	sld [smem:$0x3FAF]  }
0x28: {  	s2 =	sld [smem:$0x3FB0]  }
0x29: {  	s4 =	sld [smem:$0x3FB2]  }
0x2a: {  	p0 =	seq.s32 s5, $0x0;
	s5 =	sld [smem:$0x3FB3]  }
0x2b: {  	s6 =	sld [smem:$0x3FB4]  }
0x2c: {  	s7 =	sld [smem:$0x3FB5]  }
0x2d: {  	s3 =	simm.s32 $0x108;
	s8 =	sld [smem:$0x3FB6]  }
0x2e: {  	s3 =	simm.s32 @!p0 $0x1082;
	s9 =	sld [smem:$0x3FB7]  }
0x2f: {  	lr =	sadd.s32 s0, s3;
	s0 =	sld [smem:$0x3FAE]  }
0x30: {  	s3 =	sld [smem:$0x3FB1]  }
0x31: {  	[smem:$0x3FBA] =	sst s10  }
0x32: {  	s10 =	sld [smem:$0x3FB8];
	_ =	sdelay $0x3  }
0x33: {  	p0 =	seq.s32 s10, $0x1;
	s10 =	sld [smem:$0x3FBA];
	_ =	sdelay $0x3  }
0x34: {  	[smem:$0x3FBA] =	sst s10  }
0x35: {  	s10 =	sld [smem:$0x3FB9];
	_ =	sdelay $0x3  }
0x36: {  	p1 =	seq.s32 s10, $0x1;
	s10 =	sld [smem:$0x3FBA];
	_ =	sdelay $0x3  }
0x37: {  	[smem:$0x3FBA] =	sst s10  }
0x38: {  	s10 =	sld [smem:$0x3FBB]  }
0x39: {  	_ = 	snop;
	(pc) =	sbr.ind lr, $3  }
0x3a: {  	_ = 	snop  }
0x3b: {  	_ = 	snop  }
0x3c: {  	p2 =	seq.s32 s10, $0x1;
	s10 =	sld [smem:$0x3FBA]  }
0x3d: {  	_ =	shalt  }
0x3e: {  	_ =	shalt  }
0x3f: {  	_ =	shalt  }
0x40: {  	_ =	shalt  }
0x41: {  	_ =	shalt  }
0x42: {  	_ =	shalt  }
0x43: {  	_ =	shalt  }
0x44: {  	_ =	shalt  }
0x45: {  	_ =	shalt  }
0x46: {  	_ =	shalt  }
0x47: {  	_ =	shalt  }
0x48: {  	_ =	shalt  }
0x49: {  	_ =	shalt  }
0x4a: {  	_ =	shalt  }
0x4b: {  	_ =	shalt  }
0x4c: {  	_ =	shalt  }
0x4d: {  	_ =	shalt  }
0x4e: {  	_ =	shalt  }
0x4f: {  	_ =	shalt  }
0x50: {  	_ =	shalt  }
0x51: {  	_ =	shalt  }
0x52: {  	_ =	shalt  }
0x53: {  	_ =	shalt  }
0x54: {  	_ =	shalt  }
0x55: {  	_ =	shalt  }
0x56: {  	_ =	shalt  }
0x57: {  	_ =	shalt  }
0x58: {  	_ =	shalt  }
0x59: {  	_ =	shalt  }
0x5a: {  	_ =	shalt  }
0x5b: {  	_ =	shalt  }
0x5c: {  	_ =	shalt  }
0x5d: {  	_ =	shalt  }
0x5e: {  	_ =	shalt  }
0x5f: {  	_ =	shalt  }
0x60: {  	_ =	shalt  }
0x61: {  	_ =	shalt  }
0x62: {  	_ =	shalt  }
0x63: {  	_ =	shalt  }
0x64: {  	_ =	shalt  }
0x65: {  	_ =	shalt  }
0x66: {  	_ =	shalt  }
0x67: {  	_ =	shalt  }
0x68: {  	_ =	shalt  }
0x69: {  	_ =	shalt  }
0x6a: {  	_ =	shalt  }
0x6b: {  	_ =	shalt  }
0x6c: {  	_ =	shalt  }
0x6d: {  	_ =	shalt  }
0x6e: {  	_ =	shalt  }
0x6f: {  	_ =	shalt  }
0x70: {  	_ =	shalt  }
0x71: {  	_ =	shalt  }
0x72: {  	_ =	shalt  }
0x73: {  	_ =	shalt  }
0x74: {  	_ =	shalt  }
0x75: {  	_ =	shalt  }
0x76: {  	_ =	shalt  }
0x77: {  	_ =	shalt  }
0x78: {  	_ =	shalt  }
0x79: {  	_ =	shalt  }
0x7a: {  	_ =	shalt  }
0x7b: {  	_ =	shalt  }
0x7c: {  	_ =	shalt  }
0x7d: {  	_ =	shalt  }
0x7e: {  	_ =	shalt  }
0x7f: {  	_ =	shalt  }
0x80: {  	_ =	shalt  }
0x81: {  	_ =	shalt  }
0x82: {  	_ =	shalt  }
0x83: {  	_ =	shalt  }
0x84: {  	_ =	shalt  }
0x85: {  	_ =	shalt  }
0x86: {  	_ =	shalt  }
0x87: {  	_ =	shalt  }
.Lfunc_end0:
.L_simem_size_0:
called_computation_lowered:
.L_overlay_start_0:
0x88: {  	s2 =	sld [smem:$0x3FD9]  }
0x89: {  	s3 =	sld [smem:$0x3FFE];
	_ =	sdelay $0x1  }
0x8a: {  	s1 =	srdreg.scid  }
0x8b: {  	s0 =	sand.u32 $0x1, s1  }
0x8c: {  	s17 =	sshll.u32 s0, $0xA;
	s2 =	sadd.s32 s3, s2  }
0x8d: {  	s2 =	sadd.s32 s2, s17  }
0x8e: {  	[smem:$0x3FC6] =	sst s2  }
0x8f: {  	_ = 	snop  }
0x90: {  	s2 =	sld [smem:$0x3FC9]  }
0x91: {  	s18 =	sld [smem:$0x3FC8];
	(tm) =	ssettm $0x1  }
0x92: {  	s4 =	sld [smem:$0x3FFB];
	_ =	sdelay $0x3  }
0x93: {  	_ =	strace s4  }
0x94: {  	s4 =	sld [smem:$0x3FFC];
	_ =	sdelay $0x3  }
0x95: {  	_ =	strace s4  }
0x96: {  	s4 =	sld [smem:$0x3FFD];
	_ =	sdelay $0x3  }
0x97: {  	_ =	strace s4  }
0x98: {  	_ =	strace $0x8FFFFFFF  }
0x99: {  	s19 =	sld [smem:$0x3FDB];
	_ =	sdelay $0x1  }
0x9a: {  	s5 =	simm.s32 $_scs_section_size  }
0x9b: {  	s6 =	simm.s32 $_size__tile_overlayer_lowered;
	s7 =	simm.s32 $_tile_overlayer_lowered  }
0x9c: {  	s22 =	simm.s32 $0x1BFF;
	s21 =	sshll.u32 s7, $0x1;
	s4 =	sadd.s32 s5, s19  }
0x9d: {  	s8 =	simm.s32 $0x0;
	s20 =	sshll.u32 s6, $0x1;
	s6 =	sadd.s32 s21, s4  }
0x9e: {  	[timem:s8], [sflag:s22] =	dma.local [hbm:s6], s20  }
0x9f: {  	_ =	swait.ge [sflag:s22], s20  }
0xa0: {  	s5 =	ssub.s32 $0x0, s20;
	[sflag:s22] =	ssyncset.done $0x0  }
0xa1: {  	[sflag:s22] =	ssyncadd.s32 s5;
	_ =	sdelay $0x1  }
0xa2: {  	s23 =	simm.s32 $0x1B8B  }
0xa3: {  	_ =	swait.ge [sflag:s23], $0x1  }
0xa4: {  	[sflag:s23] =	ssyncset.done $0x0  }
0xa5: {  	s25 =	simm.s32 $0x1B8E;
	s24 =	sld [smem:$0x3FFE];
	[sflag:s23] =	ssyncadd.s32 $0xFFFFFFFF  }
0xa6: {  	s26 =	simm.s32 $execute0_lowered;
	[smem:$0x3FD2] =	sst s25  }
0xa7: {  	s6 =	sshll.u32 s26, $0x1;
	_ =	strace $0x80000046;
	[dreg:$0x1] =	wrdreg $0xFFFFFFFF  }
0xa8: {  	s28 =	simm.s32 $_size_execute0_lowered;
	s4 =	sadd.s32 s4, s6;
	[dreg:$0x0] =	wrdreg $0x0  }
0xa9: {  	s6 =	sshll.u32 s28, $0x1;
	[dreg:$0x2] =	wrdreg s4  }
0xaa: {  	[dreg:$0x3] =	wrdreg s6  }
0xab: {  	[dreg:$0x4] =	wrdreg $0xC0  }
0xac: {  	_ =	task [dreg:s8], $0x5FFFF  }
0xad: {  	[dreg:$0x1] =	wrdreg $0xFFFFFFFF  }
0xae: {  	[dreg:$0x0] =	wrdreg $0x60  }
0xaf: {  	[dreg:$0x2] =	wrdreg s2  }
0xb0: {  	[dreg:$0x3] =	wrdreg s18  }
0xb1: {  	[dreg:$0x4] =	wrdreg s24  }
0xb2: {  	[dreg:$0x5] =	wrdreg $0x9  }
0xb3: {  	_ =	task.clear_ibuf [dreg:s8], $0x6FFFF;
	_ =	strace $0x90000046  }
0xb4: {  	s29 =	simm.s32 $0x9;
	_ =	strace $0x80000048  }
0xb5: {  	_ =	swait.ge [sflag:s29], $0x1  }
0xb6: {  	[sflag:s29] =	ssyncadd.s32 $0xFFFFFFFF  }
0xb7: {  	_ =	strace $0x90000048  }
0xb8: {  	_ =	sfence  }
0xb9: {  	s30 =	sld [smem:$0x0];
	_ =	sdelay $0x2  }
0xba: {  	s31 =	sshll.u32 s1, $0xD;
	s1 =	sshrl.u32 s1, $0x2  }
0xbb: {  	s3 =	sand.u32 $0x4000, s31;
	s1 =	sadd.s32 s1, s30  }
0xbc: {  	s0 =	sor.u32 s3, s0;
	s1 =	sshll.u32 s1, $0x11  }
0xbd: {  	s0 =	sor.u32 s1, s0  }
0xbe: {  	s0 =	sadd.s32 $0x8F2B, s0  }
0xbf: {  	[sflag:s0] =	ssyncadd.remote.s32 $0x1  }
0xc0: {  	_ =	sfence.sel $0xFFFF  }
0xc1: {  	[dreg:$0x0] =	wrdreg $0xFFFFFFFF;
	(pc) =	sbr.abs _section_cstart, $3  }
0xc2: {  	[dreg:$0x1] =	wrdreg $0xFFFFFFFF  }
0xc3: {  	_ =	task.clear_ibuf [dreg:s8], $0x2FFFF;
	_ =	strace $0x9FFFFFFF  }
0xc4: {  	(tm) =	ssettm $0x7FFFFFFF  }
0xc5: {  	_ =	shalt  }
tec
execute0_lowered:
.L_overlay_start_1:
0x0: {  	(tag) =	ssettag $0x1  }
0x1: {  	s1 =	rddreg [dreg:$0x0]  }
0x2: {  	s3 =	rddreg [dreg:$0x1];
	s0 =	srdreg.scid  }
0x3: {  	s4 =	stileid.u32;
	s2 =	rddreg [dreg:$0x2]  }
0x4: {  	s13 =	simm.s32 $0x7;
	s14 =	simm.s32 $0x80;
	s22 =	simm.s32 $0x1  }
0x5: {  	s23 =	simm.s32 $0xCA00;
	s24 =	simm.s32 $0xE300;
	s25 =	simm.s32 $0xFC00  }
0x6: {  	s26 =	simm.s32 $0x11500;
	s28 =	simm.s32 $0x2;
	s29 =	simm.s32 $0x12E00  }
0x7: {  	s30 =	simm.s32 $0x14700;
	s31 =	simm.s32 $0x16000;
	s15 =	simm.s32 $0x4  }
0x8: {  	s17 =	simm.s32 $0x0;
	s0 =	sand.u32 $0x1, s0;
	s5 =	sshll.u32 s4, $0x1  }
0x9: {  	s4 =	simm.s32 $0x0;
	s10 =	sadd.s32 $0x780, s2;
	s6 =	sor.u32 s0, s5  }
0xa: {  	[smem:$0x7FF] =	sst s4;
	s0 =	ssub.s32 $0x2, s0;
	s7 =	smul.u32 $0xC80, s6  }
0xb: {  	s5 =	sadd.s32 $0x400, s2;
	s2 =	simm.s32 $0x17900;
	s8 =	sshrl.u32 s0, $0x1  }
0xc: {  	_ =	strace $0x80000047;
	s0 =	ssub.s32 s0, s8;
	s7 =	sadd.s32 s3, s7  }
0xd: {  	s6 =	sshll.u32 s6, $0x9;
	s0 =	smax.u32 s0, $0x1;
	[dreg:$0x4] =	wrdreg s7  }
0xe: {  	s9 =	sor.u32 $0x8, s6;
	s7 =	sadd.s32 $0x19, s7;
	[dreg:$0x6] =	wrdreg s0  }
0xf: {  	s11 =	sor.u32 $0xC, s6;
	s0 =	simm.s32 $0x3;
	[dreg:$0x5] =	wrdreg s7  }
.LBB2_1:
0x10: {  	s7 =	rddreg [dreg:$0x4]  }
0x11: {  	[tilespmem:s4], [sflag:$0x7] =	stream.linear.gather [hbm4b:s7+s4], $0xC8, $0x38;
	[tilespmem:$0x19200] =	vst v63  }
0x12: {  	_ =	swait.ge [sflag:s13], $0xC8  }
0x13: {  	[sflag:s13] =	ssyncset.done $0x0  }
0x14: {  	s12 =	simm.s32 $0x200;
	[sflag:s13] =	ssyncadd.s32 $0xFFFFFF38  }
0x15: {  	[tilespmem:s12], [sflag:$0x1] =	stream.indirect.gather [hbm4b:s1+s14], $0x80, s4, s14, $0xb8;
	[tilespmem:$0x19200] =	vst v63  }
0x16: {  	s8 =	simm.s32 $0x48;
	s16 =	simm.s32 $0x4200  }
0x17: {  	[tilespmem:s16], [sflag:$0x1] =	stream.indirect.gather [hbm4b:s1+s8], $0x80, s14, s8, $0xb8;
	[tilespmem:$0x19200] =	vst v63  }
0x18: {  	s18 =	rddreg [dreg:$0x5];
	s12 =	simm.s32 $0x100  }
0x19: {  	[tilespmem:s12], [sflag:$0x7] =	stream.linear.gather [hbm4b:s18+s4], $0xC8, $0x38;
	[tilespmem:$0x19200] =	vst v63  }
0x1a: {  	_ =	swait.ge [sflag:s13], $0xC8  }
0x1b: {  	[sflag:s13] =	ssyncset.done $0x0  }
0x1c: {  	s19 =	simm.s32 $0x6600;
	[sflag:s13] =	ssyncadd.s32 $0xFFFFFF38  }
0x1d: {  	[tilespmem:s19], [sflag:$0x2] =	stream.indirect.gather [hbm4b:s1+s14], $0x80, s12, s14, $0xb8;
	[tilespmem:$0x19200] =	vst v63  }
0x1e: {  	s20 =	simm.s32 $0x180;
	s21 =	simm.s32 $0xA600;
	s19 =	simm.s32 $0x0  }
0x1f: {  	[tilespmem:s21], [sflag:$0x2] =	stream.indirect.gather [hbm4b:s1+s8], $0x80, s20, s8, $0xb8;
	[tilespmem:$0x19200] =	vst v63  }
.LBB2_2:
0x20: {  	p0 =	seq.s32 s19, $0x3F  }
0x21: {  	s8 =	sshll.u32 @!p0 s19, $0x3  }
0x22: {  	_ =	swait.ge [sflag:s22], $0x4000;
	p1 =	seq.s32 @!p0 s19, $0x0;
	s8 =	sadd.s32 @!p0 s8, s9  }
0x23: {  	[sflag:s22] =	ssyncset.done $0x0;
	p1 =	por p0, !p1;
	s8 =	smul.u32 @!p0 $0x32, s8  }
.Ltmp0:
0x24: {  	[sflag:s22] =	ssyncadd.s32 $0xFFFFC000;
	(pc) =	sbr.rel @!p1 .LBB2_3-.Ltmp0, $4  }
0x25: {  	_ =	swait.ge [sflag:s22], $0x2400  }
0x26: {  	[sflag:s22] =	ssyncset.done $0x0;
	s8 =	sshrl.u32 @!p0 s8, $0x3  }
0x27: {  	s20 =	simm.s32 @!p0 $0x0;
	[sflag:s22] =	ssyncadd.s32 $0xFFFFDC00;
	s8 =	sadd.s32 @!p0 s3, s8  }
0x28: {  	[tilespmem:s20], [sflag:$0x5] =	stream.linear.gather @!p0 [hbm4b:s8+s20], $0xC8, $0x38;
	[tilespmem:$0x19200] =	vst v63  }
0x29: {  	_ =	swait.ge [sflag:s0], $0x1900  }
0x2a: {  	[sflag:s0] =	ssyncset.done $0x0  }
0x2b: {  	[sflag:s0] =	ssyncadd.s32 $0xFFFFE700  }
0x2c: {  	_ =	swait.ge [sflag:s0], $0x1900  }
0x2d: {  	[sflag:s0] =	ssyncset.done $0x0  }
0x2e: {  	[sflag:s0] =	ssyncadd.s32 $0xFFFFE700  }
0x2f: {  	_ =	swait.ge [sflag:s0], $0x1900  }
.Ltmp1:
0x30: {  	[sflag:s0] =	ssyncset.done $0x0;
	(pc) =	sbr.rel .LBB2_5-.Ltmp1, $4  }
0x31: {  	[sflag:s0] =	ssyncadd.s32 $0xFFFFE700  }
0x32: {  	_ =	swait.ge [sflag:s0], $0x1900  }
0x33: {  	[sflag:s0] =	ssyncset.done $0x0  }
0x34: {  	p1 =	por $0x0, $0x0;
	[sflag:s0] =	ssyncadd.s32 $0xFFFFE700  }
.LBB2_3:
0x35: {  	p1 =	por @!p0 $0x1, $0x1  }
.LBB2_5:
0x36: {  	s20 =	simm.s32 $0x0  }
0x37: {  	v0 =	vld [tilespmem:s20+$0x230]  }
0x38: {  	v1 =	vld [tilespmem:s20+$0x200]  }
0x39: {  	v2 =	vld [tilespmem:s20+$0x210]  }
0x3a: {  	s21 =	simm.s32 $0x200;
	v3 =	vld [tilespmem:s20+$0x220]  }
.LBB2_6:
0x3b: {  	p2 =	sne.s32 s21, $0x18E00  }
.Ltmp2:
0x3c: {  	s8 =	sshra.s32 s21, $0x2;
	s21 =	sadd.s32 $0x200, s21;
	[tilespmem:s20+$0xCA30] =	vst v0;
	(pc) =	sbr.rel @p2 .LBB2_6-.Ltmp2, $4  }
0x3d: {  	v0 =	vld [tilespmem:s8+$0x230];
	[tilespmem:s20+$0xCA00] =	vst v1  }
0x3e: {  	v1 =	vld [tilespmem:s8+$0x200];
	[tilespmem:s20+$0xCA10] =	vst v2  }
0x3f: {  	v2 =	vld [tilespmem:s8+$0x210];
	[tilespmem:s20+$0xCA20] =	vst v3;
	s20 =	smov.u32 s8  }
0x40: {  	v3 =	vld [tilespmem:s20+$0x220]  }
0x41: {  	_ = 	snop  }
0x42: {  	[tilespmem:s20+$0xCA30] =	vst v0  }
0x43: {  	[tilespmem:s20+$0xCA00] =	vst v1  }
0x44: {  	[tilespmem:s20+$0xCA10] =	vst v2  }
0x45: {  	s8 =	simm.s32 @!p0 $0x5;
	[tilespmem:s20+$0xCA20] =	vst v3  }
0x46: {  	_ =	swait.ge @!p0 [sflag:s8], $0xC8  }
0x47: {  	s21 =	simm.s32 @!p0 $0x0;
	s16 =	sshll.u32 s19, $0x3;
	[sflag:s8] =	ssyncset.done @!p0 $0x0  }
0x48: {  	s20 =	simm.s32 @!p0 $0x200;
	[sflag:s8] =	ssyncadd.s32 @!p0 $0xFFFFFF38;
	s8 =	simm.s32 @!p0 $0x80  }
0x49: {  	[tilespmem:s20], [sflag:$0x1] =	stream.indirect.gather @!p0 [hbm4b:s1+s8], $0x80, s21, s8, $0xb8;
	[tilespmem:$0x19200] =	vst v63  }
0x4a: {  	s20 =	sor.u32 s6, s16  }
0x4b: {  	s12 =	simm.s32 @!p0 $0x48;
	s18 =	simm.s32 @!p0 $0x4200;
	s7 =	smul.u32 $0x380, s20  }
0x4c: {  	[tilespmem:s18], [sflag:$0x1] =	stream.indirect.gather @!p0 [hbm4b:s1+s12], $0x80, s8, s12, $0xb8;
	[tilespmem:$0x19200] =	vst v63  }
0x4d: {  	s18 =	smul.u32 $0x1C00, s20;
	s12 =	sadd.s32 s5, s7  }
0x4e: {  	[hbm4b:s12+s4] =	stream.linear.scatter [tilespmem:s23], [sflag:$0x3], $0x1900, $0x38;
	[tilespmem:$0x19200] =	vst v63  }
0x4f: {  	s7 =	sadd.s32 s7, s10;
	s12 =	sshrl.u32 s18, $0x3  }
0x50: {  	[hbm4b:s7+s4] =	stream.linear.scatter [tilespmem:s24], [sflag:$0x3], $0x1900, $0x38;
	[tilespmem:$0x19200] =	vst v63  }
0x51: {  	s7 =	sadd.s32 s5, s12  }
0x52: {  	s18 =	sadd.s32 $0x700, s7  }
0x53: {  	[hbm4b:s18+s4] =	stream.linear.scatter [tilespmem:s25], [sflag:$0x3], $0x1900, $0x38;
	[tilespmem:$0x19200] =	vst v63  }
0x54: {  	s7 =	sadd.s32 $0xA80, s7  }
0x55: {  	[hbm4b:s7+s4] =	stream.linear.scatter [tilespmem:s26], [sflag:$0x3], $0x1900, $0x38;
	[tilespmem:$0x19200] =	vst v63  }
0x56: {  	_ =	swait.ge [sflag:s28], $0x4000  }
0x57: {  	s7 =	sadd.s32 @!p0 s16, s11;
	[sflag:s28] =	ssyncset.done $0x0  }
0x58: {  	s7 =	smul.u32 @!p0 $0x32, s7;
	[sflag:s28] =	ssyncadd.s32 $0xFFFFC000  }
0x59: {  	_ =	swait.ge [sflag:s28], $0x2400  }
0x5a: {  	s7 =	sshrl.u32 @!p0 s7, $0x3;
	[sflag:s28] =	ssyncset.done $0x0  }
0x5b: {  	s8 =	simm.s32 @!p0 $0x100;
	s7 =	sadd.s32 @!p0 s3, s7;
	[sflag:s28] =	ssyncadd.s32 $0xFFFFDC00  }
0x5c: {  	[tilespmem:s8], [sflag:$0x6] =	stream.linear.gather @!p0 [hbm4b:s7+s21], $0xC8, $0x38;
	[tilespmem:$0x19200] =	vst v63  }
0x5d: {  	s7 =	simm.s32 @!p1 $0x4  }
0x5e: {  	_ =	swait.ge @!p1 [sflag:s7], $0x1900  }
0x5f: {  	[sflag:s7] =	ssyncset.done @!p1 $0x0  }
0x60: {  	[sflag:s7] =	ssyncadd.s32 @!p1 $0xFFFFE700  }
0x61: {  	_ =	swait.ge @!p1 [sflag:s7], $0x1900  }
0x62: {  	[sflag:s7] =	ssyncset.done @!p1 $0x0  }
0x63: {  	[sflag:s7] =	ssyncadd.s32 @!p1 $0xFFFFE700  }
0x64: {  	_ =	swait.ge @!p1 [sflag:s7], $0x1900  }
0x65: {  	[sflag:s7] =	ssyncset.done @!p1 $0x0  }
0x66: {  	[sflag:s7] =	ssyncadd.s32 @!p1 $0xFFFFE700  }
0x67: {  	_ =	swait.ge @!p1 [sflag:s7], $0x1900  }
0x68: {  	[sflag:s7] =	ssyncset.done @!p1 $0x0  }
0x69: {  	s21 =	simm.s32 $0x0;
	[sflag:s7] =	ssyncadd.s32 @!p1 $0xFFFFE700  }
0x6a: {  	v0 =	vld [tilespmem:s21+$0x6630]  }
0x6b: {  	v1 =	vld [tilespmem:s21+$0x6600]  }
0x6c: {  	v2 =	vld [tilespmem:s21+$0x6610]  }
0x6d: {  	s8 =	simm.s32 $0x200;
	v3 =	vld [tilespmem:s21+$0x6620]  }
.LBB2_8:
0x6e: {  	p1 =	sne.s32 s8, $0x18E00  }
.Ltmp3:
0x6f: {  	s7 =	sshra.s32 s8, $0x2;
	s8 =	sadd.s32 $0x200, s8;
	[tilespmem:s21+$0x12E30] =	vst v0;
	(pc) =	sbr.rel @p1 .LBB2_8-.Ltmp3, $4  }
0x70: {  	v0 =	vld [tilespmem:s7+$0x6630];
	[tilespmem:s21+$0x12E00] =	vst v1  }
0x71: {  	v1 =	vld [tilespmem:s7+$0x6600];
	[tilespmem:s21+$0x12E10] =	vst v2  }
0x72: {  	v2 =	vld [tilespmem:s7+$0x6610];
	[tilespmem:s21+$0x12E20] =	vst v3;
	s21 =	smov.u32 s7  }
0x73: {  	v3 =	vld [tilespmem:s21+$0x6620]  }
0x74: {  	_ = 	snop  }
0x75: {  	[tilespmem:s21+$0x12E30] =	vst v0  }
0x76: {  	[tilespmem:s21+$0x12E00] =	vst v1  }
0x77: {  	[tilespmem:s21+$0x12E10] =	vst v2  }
0x78: {  	s7 =	simm.s32 @!p0 $0x6;
	[tilespmem:s21+$0x12E20] =	vst v3  }
0x79: {  	s8 =	simm.s32 @!p0 $0x100;
	s12 =	simm.s32 @!p0 $0x6600;
	_ =	swait.ge @!p0 [sflag:s7], $0xC8  }
0x7a: {  	s16 =	simm.s32 @!p0 $0xA600;
	s21 =	sor.u32 $0x4, s20;
	[sflag:s7] =	ssyncset.done @!p0 $0x0  }
0x7b: {  	s18 =	smul.u32 $0x380, s21;
	[sflag:s7] =	ssyncadd.s32 @!p0 $0xFFFFFF38;
	s7 =	simm.s32 @!p0 $0x80  }
0x7c: {  	[tilespmem:s12], [sflag:$0x2] =	stream.indirect.gather @!p0 [hbm4b:s1+s7], $0x80, s8, s7, $0xb8;
	[tilespmem:$0x19200] =	vst v63  }
0x7d: {  	s7 =	simm.s32 @!p0 $0x48;
	s12 =	simm.s32 @!p0 $0x180;
	s8 =	smul.u32 $0x1C00, s21  }
0x7e: {  	[tilespmem:s16], [sflag:$0x2] =	stream.indirect.gather @!p0 [hbm4b:s1+s7], $0x80, s12, s7, $0xb8;
	[tilespmem:$0x19200] =	vst v63  }
0x7f: {  	s16 =	sadd.s32 s5, s18;
	s18 =	sshrl.u32 s8, $0x3  }
0x80: {  	s19 =	sadd.s32 $0x1, s19;
	s7 =	sadd.s32 s5, s18  }
0x81: {  	[hbm4b:s16+s4] =	stream.linear.scatter [tilespmem:s29], [sflag:$0x4], $0x1900, $0x38;
	[tilespmem:$0x19200] =	vst v63  }
0x82: {  	p0 =	sne.s32 s19, $0x40;
	s20 =	sadd.s32 $0x380, s7  }
0x83: {  	[hbm4b:s20+s4] =	stream.linear.scatter [tilespmem:s30], [sflag:$0x4], $0x1900, $0x38;
	[tilespmem:$0x19200] =	vst v63  }
.Ltmp4:
0x84: {  	_ = 	snop;
	(pc) =	sbr.rel @p0 .LBB2_2-.Ltmp4, $4  }
0x85: {  	s21 =	sadd.s32 $0x700, s7  }
0x86: {  	[hbm4b:s21+s4] =	stream.linear.scatter [tilespmem:s31], [sflag:$0x4], $0x1900, $0x38;
	[tilespmem:$0x19200] =	vst v63  }
0x87: {  	s7 =	sadd.s32 $0xA80, s7  }
0x88: {  	[hbm4b:s7+s4] =	stream.linear.scatter [tilespmem:s2], [sflag:$0x4], $0x1900, $0x38;
	[tilespmem:$0x19200] =	vst v63  }
0x89: {  	_ =	swait.ge [sflag:s0], $0x1900  }
0x8a: {  	[sflag:s0] =	ssyncset.done $0x0  }
0x8b: {  	[sflag:s0] =	ssyncadd.s32 $0xFFFFE700  }
0x8c: {  	_ =	swait.ge [sflag:s0], $0x1900  }
0x8d: {  	[sflag:s0] =	ssyncset.done $0x0  }
0x8e: {  	[sflag:s0] =	ssyncadd.s32 $0xFFFFE700  }
0x8f: {  	_ =	swait.ge [sflag:s0], $0x1900  }
0x90: {  	[sflag:s0] =	ssyncset.done $0x0  }
0x91: {  	[sflag:s0] =	ssyncadd.s32 $0xFFFFE700  }
0x92: {  	_ =	swait.ge [sflag:s0], $0x1900  }
0x93: {  	[sflag:s0] =	ssyncset.done $0x0  }
0x94: {  	[sflag:s0] =	ssyncadd.s32 $0xFFFFE700  }
0x95: {  	_ =	swait.ge [sflag:s15], $0x1900  }
0x96: {  	[sflag:s15] =	ssyncset.done $0x0  }
0x97: {  	[sflag:s15] =	ssyncadd.s32 $0xFFFFE700  }
0x98: {  	_ =	swait.ge [sflag:s15], $0x1900  }
0x99: {  	[sflag:s15] =	ssyncset.done $0x0  }
0x9a: {  	[sflag:s15] =	ssyncadd.s32 $0xFFFFE700  }
0x9b: {  	_ =	swait.ge [sflag:s15], $0x1900  }
0x9c: {  	[sflag:s15] =	ssyncset.done $0x0  }
0x9d: {  	[sflag:s15] =	ssyncadd.s32 $0xFFFFE700  }
0x9e: {  	_ =	swait.ge [sflag:s15], $0x1900  }
0x9f: {  	s17 =	sadd.s32 $0x1, s17;
	s7 =	rddreg [dreg:$0x6]  }
0xa0: {  	p0 =	sne.s32 s17, s7  }
.Ltmp5:
0xa1: {  	_ = 	snop;
	(pc) =	sbr.rel @p0 .LBB2_1-.Ltmp5, $3  }
0xa2: {  	_ =	sdelay $0x1  }
0xa3: {  	[sflag:s15] =	ssyncset.done $0x0  }
0xa4: {  	[sflag:s15] =	ssyncadd.s32 $0xFFFFE700  }
0xa5: {  	_ =	sfence.sel $0x180000  }
0xa6: {  	[bflag:$0x0] =	sbarrier.arrive $0xFFFF  }
0xa7: {  	_ =	strace $0x90000047  }
0xa8: {  	s0 =	stileid.u32;
	[bflag:$0x2] =	sbarrier.arrive $0xFFFF  }
0xa9: {  	p0 =	sne.s32 s0, $0x0;
	s0 =	rddreg [dreg:$0x3]  }
0xaa: {  	s0 =	sadd.s32 @!p0 $0x100000, s0  }
0xab: {  	[sflag:s0] =	ssyncadd.tile.s32 @!p0 $0x1;
	_ =	shalt  }
.Lfunc_end2:
_tile_overlayer_lowered:
.L_overlay_start_2:
0xac: {  	(tag) =	ssettag $0x2  }
0xad: {  	s0 =	rddreg [dreg:$0x0];
	s2 =	stileid.u32  }
0xae: {  	s1 =	rddreg [dreg:$0x1];
	p0 =	sne.s32 s2, $0x0  }
0xaf: {  	s3 =	rddreg [dreg:$0x2];
	[bflag:$0x3] =	sbarrier.arrive $0xFFFF;
	s2 =	simm.s32 @!p0 $0x1C07  }
0xb0: {  	[timem:s3], [sflag:s2] =	dma.local @!p0 [hbm:s0], s1  }
0xb1: {  	s0 =	simm.s32 @!p0 $0x7  }
0xb2: {  	_ =	swait.ge @!p0 [sflag:s0], s1  }
0xb3: {  	s1 =	ssub.s32 @!p0 $0x0, s1;
	[sflag:s0] =	ssyncset.done @!p0 $0x0  }
0xb4: {  	[sflag:s0] =	ssyncadd.s32 @!p0 s1  }
0xb5: {  	[bflag:$0x3] =	sbarrier.arrive $0xFFFF  }
0xb6: {  	_ =	shalt  }

</sc_bundles>
